<compile_context>
chip_gen: v7x
topology: tpu7x:2x2x1
jax: 0.10.2.dev20260603
libtpu: 0.0.44.dev20260713+nightly
codegen_flags: <defaults>
</compile_context>

<pallas_src>
import functools

import jax
import jax.numpy as jnp
from jax import lax
from jax.experimental import pallas as pl
from jax.experimental.pallas import tpu as pltpu
from jax.experimental.pallas import tpu_sc as plsc

_B = 64
_CHUNK = 125
_NW = 32
_MEGA = 8




def _sc_degree(dst2d, zeros128, ones128, npad, h):
  chunks = dst2d.shape[0]
  cpw = chunks // _NW
  rpt = npad // 16

  mesh = plsc.VectorSubcoreMesh(core_axis_name="c", subcore_axis_name="s")

  @functools.partial(
      pl.kernel,
      out_type=jax.ShapeDtypeStruct((2, npad, h), jnp.float32),
      mesh=mesh,
      name="sc_degree",
      scratch_types=[
          pltpu.VMEM((cpw, _CHUNK), jnp.int32),
          pltpu.VMEM((_CHUNK, h), jnp.float32),
          pltpu.VMEM_SHARED((npad, h), jnp.float32),
      ],
  )
  def kern(dst_hbm, zeros_hbm, ones_hbm, out_hbm, idx_v, ones_v, accum):
    c = lax.axis_index("c")
    s = lax.axis_index("s")
    w = c * 16 + s
    pltpu.sync_copy(dst_hbm.at[pl.ds(w * cpw, cpw)], idx_v)
    pltpu.sync_copy(ones_hbm, ones_v)
    pltpu.sync_copy(zeros_hbm, accum.at[pl.ds(s * rpt, rpt)])
    plsc.subcore_barrier()

    def body(j, carry):
      pltpu.sync_copy(ones_v, accum.at[idx_v.at[j]], add=True)
      return carry

    lax.fori_loop(0, cpw, body, 0)
    plsc.subcore_barrier()
    pltpu.sync_copy(accum.at[pl.ds(s * rpt, rpt)],
                    out_hbm.at[c].at[pl.ds(s * rpt, rpt)])

  return kern(dst2d, zeros128, ones128)


def _sc_scatter(g, src2d, dst2d, zeros128, npad, h):
  chunks = src2d.shape[0]
  cpw = chunks // _NW
  rpt = npad // 16

  mesh = plsc.VectorSubcoreMesh(core_axis_name="c", subcore_axis_name="s")

  @functools.partial(
      pl.kernel,
      out_type=jax.ShapeDtypeStruct((2, npad, h), jnp.float32),
      mesh=mesh,
      name="sc_scatter",
      scratch_types=[
          pltpu.VMEM((cpw, _CHUNK), jnp.int32),
          pltpu.VMEM((cpw, _CHUNK), jnp.int32),
          pltpu.VMEM((_CHUNK, h), jnp.float32),
          pltpu.VMEM_SHARED((npad, h), jnp.float32),
          pltpu.SemaphoreType.DMA,
      ],
  )
  def kern(g_hbm, src_hbm, dst_hbm, zeros_hbm, out_hbm,
           src_v, dst_v, rows, accum, sem):
    c = lax.axis_index("c")
    s = lax.axis_index("s")
    w = c * 16 + s
    pltpu.sync_copy(src_hbm.at[pl.ds(w * cpw, cpw)], src_v)
    pltpu.sync_copy(dst_hbm.at[pl.ds(w * cpw, cpw)], dst_v)
    pltpu.sync_copy(zeros_hbm, accum.at[pl.ds(s * rpt, rpt)])
    plsc.subcore_barrier()

    def body(j, carry):
      pltpu.async_copy(g_hbm.at[src_v.at[j]], rows, sem).wait()
      pltpu.sync_copy(rows, accum.at[dst_v.at[j]], add=True)
      return carry

    lax.fori_loop(0, cpw, body, 0)
    plsc.subcore_barrier()
    pltpu.sync_copy(accum.at[pl.ds(s * rpt, rpt)],
                    out_hbm.at[c].at[pl.ds(s * rpt, rpt)])

  return kern(g, src2d, dst2d, zeros128)



_BLK = 5000


def _tc_first_g(x, wn, bn, degp, wc):
  n, _ = x.shape
  hdim = wn.shape[1]

  def body(x_ref, wn_ref, bn_ref, d_ref, wc_ref, g_ref, dinv_ref):
    deg = 1.0 + (d_ref[0, :, 0] + d_ref[1, :, 0])
    dinv = lax.rsqrt(deg)[:, None]
    h0 = (jnp.dot(x_ref[...], wn_ref[...], preferred_element_type=jnp.float32)
          + bn_ref[...])
    hw = jnp.dot(h0, wc_ref[...], preferred_element_type=jnp.float32)
    g_ref[...] = hw * dinv
    dinv_ref[...] = dinv

  return pl.pallas_call(
      body,
      grid=(n // _BLK,),
      in_specs=[
          pl.BlockSpec((_BLK, x.shape[1]), lambda i: (i, 0)),
          pl.BlockSpec(wn.shape, lambda i: (0, 0)),
          pl.BlockSpec((1, hdim), lambda i: (0, 0)),
          pl.BlockSpec((2, _BLK, hdim), lambda i: (0, i, 0)),
          pl.BlockSpec(wc.shape, lambda i: (0, 0)),
      ],
      out_specs=[
          pl.BlockSpec((_BLK, hdim), lambda i: (i, 0)),
          pl.BlockSpec((_BLK, 1), lambda i: (i, 0)),
      ],
      out_shape=[
          jax.ShapeDtypeStruct((n, hdim), jnp.float32),
          jax.ShapeDtypeStruct((n, 1), jnp.float32),
      ],
  )(x, wn, bn.reshape(1, hdim), degp, wc)


def _tc_mid(sp, g_prev, dinv, b_prev, w_next):
  n, hdim = g_prev.shape

  def body(s_ref, g_ref, d_ref, b_ref, w_ref, o_ref):
    tot = s_ref[0] + s_ref[1] + g_ref[...]
    hcur = jnp.maximum(tot * d_ref[...] + b_ref[...], 0.0)
    o_ref[...] = (
        jnp.dot(hcur, w_ref[...], preferred_element_type=jnp.float32)
        * d_ref[...])

  return pl.pallas_call(
      body,
      grid=(n // _BLK,),
      in_specs=[
          pl.BlockSpec((2, _BLK, hdim), lambda i: (0, i, 0)),
          pl.BlockSpec((_BLK, hdim), lambda i: (i, 0)),
          pl.BlockSpec((_BLK, 1), lambda i: (i, 0)),
          pl.BlockSpec((1, hdim), lambda i: (0, 0)),
          pl.BlockSpec(w_next.shape, lambda i: (0, 0)),
      ],
      out_specs=pl.BlockSpec((_BLK, hdim), lambda i: (i, 0)),
      out_shape=jax.ShapeDtypeStruct((n, hdim), jnp.float32),
  )(sp, g_prev, dinv, b_prev.reshape(1, hdim), w_next)


def _tc_final(sp, g_prev, dinv, b_prev, batch, wp1, bp1, wp2, bp2,
              wv1, bv1, wv2, bv2):
  n, hdim = g_prev.shape
  nblk = n // _BLK

  def body(s_ref, g_ref, d_ref, b_ref, bat_ref, wp1_ref, bp1_ref,
           wp2_ref, bp2_ref, wv1_ref, bv1_ref, wv2_ref, bv2_ref,
           pol_ref, val_ref, seg_ref, cnt_ref):
    i = pl.program_id(0)
    tot = s_ref[0] + s_ref[1] + g_ref[...]
    hcur = jnp.maximum(tot * d_ref[...] + b_ref[...], 0.0)
    p1 = jnp.maximum(
        jnp.dot(hcur, wp1_ref[...], preferred_element_type=jnp.float32)
        + bp1_ref[...], 0.0)
    pol_ref[...] = (
        jnp.dot(p1, wp2_ref[...], preferred_element_type=jnp.float32)
        + bp2_ref[...])
    onehot = jnp.equal(
        bat_ref[...], lax.broadcasted_iota(jnp.int32, (1, _B), 1)
    ).astype(jnp.float32)
    seg = lax.dot_general(onehot, hcur, (((0,), (0,)), ((), ())),
                          preferred_element_type=jnp.float32)
    cnt = jnp.sum(onehot, axis=0)[:, None]

    @pl.when(i == 0)
    def _():
      seg_ref[...] = jnp.zeros_like(seg_ref)
      cnt_ref[...] = jnp.zeros_like(cnt_ref)

    seg_ref[...] += seg
    cnt_ref[...] += cnt

    @pl.when(i == nblk - 1)
    def _():
      pooled = seg_ref[...] / jnp.maximum(cnt_ref[...], 1.0)
      v1 = jnp.maximum(
          jnp.dot(pooled, wv1_ref[...], preferred_element_type=jnp.float32)
          + bv1_ref[...], 0.0)
      val_ref[...] = jnp.tanh(
          jnp.dot(v1, wv2_ref[...], preferred_element_type=jnp.float32)
          + bv2_ref[...])

  return pl.pallas_call(
      body,
      grid=(nblk,),
      in_specs=[
          pl.BlockSpec((2, _BLK, hdim), lambda i: (0, i, 0)),
          pl.BlockSpec((_BLK, hdim), lambda i: (i, 0)),
          pl.BlockSpec((_BLK, 1), lambda i: (i, 0)),
          pl.BlockSpec((1, hdim), lambda i: (0, 0)),
          pl.BlockSpec((_BLK, 1), lambda i: (i, 0)),
          pl.BlockSpec(wp1.shape, lambda i: (0, 0)),
          pl.BlockSpec((1, hdim), lambda i: (0, 0)),
          pl.BlockSpec(wp2.shape, lambda i: (0, 0)),
          pl.BlockSpec((1, 1), lambda i: (0, 0)),
          pl.BlockSpec(wv1.shape, lambda i: (0, 0)),
          pl.BlockSpec((1, hdim), lambda i: (0, 0)),
          pl.BlockSpec(wv2.shape, lambda i: (0, 0)),
          pl.BlockSpec((1, 1), lambda i: (0, 0)),
      ],
      out_specs=[
          pl.BlockSpec((_BLK, 1), lambda i: (i, 0)),
          pl.BlockSpec((_B, 1), lambda i: (0, 0)),
          pl.BlockSpec((_B, hdim), lambda i: (0, 0)),
          pl.BlockSpec((_B, 1), lambda i: (0, 0)),
      ],
      out_shape=[
          jax.ShapeDtypeStruct((n, 1), jnp.float32),
          jax.ShapeDtypeStruct((_B, 1), jnp.float32),
          jax.ShapeDtypeStruct((_B, hdim), jnp.float32),
          jax.ShapeDtypeStruct((_B, 1), jnp.float32),
      ],
  )(sp, g_prev, dinv, b_prev.reshape(1, hdim), batch.reshape(n, 1),
    wp1, bp1.reshape(1, hdim), wp2, bp2.reshape(1, 1),
    wv1, bv1.reshape(1, hdim), wv2, bv2.reshape(1, 1))




@jax.jit
def kernel(x, edge_index, edge_attr, batch, Wn, bn, emb,
           Wc0, bc0, Wc1, bc1, Wc2, bc2,
           Wp1, bp1, Wp2, bp2, Wv1, bv1, Wv2, bv2):
  del edge_attr, emb
  n, _ = x.shape
  hdim = Wn.shape[1]
  e = edge_index.shape[1]

  npad = ((n + 128) // 128) * 128
  rpt = npad // 16

  src2d = edge_index[0].reshape(e // _CHUNK, _CHUNK)
  dst2d = edge_index[1].reshape(e // _CHUNK, _CHUNK)
  zeros128 = jnp.zeros((rpt, hdim), jnp.float32)
  ones128 = jnp.ones((_CHUNK, hdim), jnp.float32)

  degp = _sc_degree(dst2d, zeros128, ones128, npad, hdim)
  g0, dinv = _tc_first_g(x, Wn, bn, degp, Wc0)

  s0 = _sc_scatter(g0, src2d, dst2d, zeros128, npad, hdim)
  g1 = _tc_mid(s0, g0, dinv, bc0, Wc1)
  s1 = _sc_scatter(g1, src2d, dst2d, zeros128, npad, hdim)
  g2 = _tc_mid(s1, g1, dinv, bc1, Wc2)
  s2 = _sc_scatter(g2, src2d, dst2d, zeros128, npad, hdim)

  policy, value, _, _ = _tc_final(s2, g2, dinv, bc2, batch,
                                  Wp1, bp1, Wp2, bp2, Wv1, bv1, Wv2, bv2)
  return (policy, value)

# --- scband reference (transcript-rebuilt; emitter-appended) ---
"""Pipeline reference for scband-gnnpolicy-value-net-20796231647363 (READ-ONLY COPY).

The authoritative reference and input builder live on the scoring server;
editing this copy changes nothing except your own understanding.
"""

import jax, jax.numpy as jnp
import numpy as np

N = 10000
E = 320000
D = 128
H = 128
B = 64
NUM_LAYERS = 3


def setup_inputs(seed: int = 0) -> dict:
    key = jax.random.key(seed)
    ks = jax.random.split(key, 24)
    inp = {}
    inp["x"] = jax.random.normal(ks[0], (N, D), dtype=jnp.float32)
    inp["edge_index"] = jax.random.randint(ks[1], (2, E), 0, N, dtype=jnp.int32)
    inp["edge_attr"] = jax.random.randint(ks[2], (E,), 0, 2, dtype=jnp.int32)
    inp["batch"] = jnp.sort(jax.random.randint(ks[3], (N,), 0, B, dtype=jnp.int32))
    s = 0.02
    # node encoder
    inp["Wn"] = jax.random.normal(ks[4], (D, H), dtype=jnp.float32) * s
    inp["bn"] = jnp.zeros((H,), dtype=jnp.float32)
    # edge encoder embedding (2, H)
    inp["emb"] = jax.random.normal(ks[5], (2, H), dtype=jnp.float32) * s
    # GCN conv weights
    for i in range(NUM_LAYERS):
        inp[f"Wc{i}"] = jax.random.normal(ks[6 + i], (H, H), dtype=jnp.float32) * s
        inp[f"bc{i}"] = jnp.zeros((H,), dtype=jnp.float32)
    # policy head
    inp["Wp1"] = jax.random.normal(ks[10], (H, H), dtype=jnp.float32) * s
    inp["bp1"] = jnp.zeros((H,), dtype=jnp.float32)
    inp["Wp2"] = jax.random.normal(ks[11], (H, 1), dtype=jnp.float32) * s
    inp["bp2"] = jnp.zeros((1,), dtype=jnp.float32)
    # value head
    inp["Wv1"] = jax.random.normal(ks[12], (H, H), dtype=jnp.float32) * s
    inp["bv1"] = jnp.zeros((H,), dtype=jnp.float32)
    inp["Wv2"] = jax.random.normal(ks[13], (H, 1), dtype=jnp.float32) * s
    inp["bv2"] = jnp.zeros((1,), dtype=jnp.float32)
    return inp


def _gcn_conv(h, edge_index, W, b):
    # PyG GCNConv: add self loops, symmetric normalization, then aggregate
    n = h.shape[0]
    loop = jnp.arange(n, dtype=edge_index.dtype)
    src = jnp.concatenate([edge_index[0], loop])
    dst = jnp.concatenate([edge_index[1], loop])
    hw = h @ W
    deg = jnp.zeros((n,), dtype=hw.dtype).at[dst].add(1.0)
    dinv = jnp.where(deg > 0, jax.lax.rsqrt(deg), 0.0)
    norm = dinv[src] * dinv[dst]
    msg = hw[src] * norm[:, None]
    out = jnp.zeros_like(hw).at[dst].add(msg)
    return out + b


def reference(x, edge_index, edge_attr, batch, Wn, bn, emb,
              Wc0, bc0, Wc1, bc1, Wc2, bc2,
              Wp1, bp1, Wp2, bp2, Wv1, bv1, Wv2, bv2):
    h = x @ Wn + bn
    _ea = jnp.take(emb, edge_attr, axis=0)  # computed but unused, as in the torch module
    for W, b in ((Wc0, bc0), (Wc1, bc1), (Wc2, bc2)):
        h = jax.nn.relu(_gcn_conv(h, edge_index, W, b))
    # global mean pool over graphs
    seg_sum = jax.ops.segment_sum(h, batch, num_segments=B)
    counts = jax.ops.segment_sum(jnp.ones((h.shape[0],), dtype=h.dtype), batch, num_segments=B)
    pooled = seg_sum / jnp.maximum(counts, 1.0)[:, None]
    policy_logits = jax.nn.relu(h @ Wp1 + bp1) @ Wp2 + bp2
    value = jnp.tanh(jax.nn.relu(pooled @ Wv1 + bv1) @ Wv2 + bv2)
    return (policy_logits, value)

if __name__ == "__main__":
    import jax
    _d = setup_inputs()
    print(jax.jit(kernel)(*tuple(_d.values())))

</pallas_src>

<mosaic_0001>
#map = affine_map<(d0, d1) -> (0, 0)>
#map1 = affine_map<(d0, d1) -> (0, 0, 0)>
module attributes {stable_mosaic.version = 14 : i64} {
  func.func @sc_scatter(%arg0: i32, %arg1: i32, %arg2: memref<10000x128xf32, #tpu.memory_space<hbm>>, %arg3: memref<2560x125xi32, #tpu.memory_space<hbm>>, %arg4: memref<2560x125xi32, #tpu.memory_space<hbm>>, %arg5: memref<632x128xf32, #tpu.memory_space<hbm>>, %arg6: memref<2x10112x128xf32, #tpu.memory_space<hbm>>, %arg7: memref<80x125xi32, #tpu.memory_space<vmem>>, %arg8: memref<80x125xi32, #tpu.memory_space<vmem>>, %arg9: memref<125x128xf32, #tpu.memory_space<vmem>>, %arg10: memref<10112x128xf32, #tpu.memory_space<vmem_shared>>, %arg11: memref<!tpu.dma_semaphore, #tpu.memory_space<semaphore_mem>>) attributes {dimension_semantics = [#tpu.dimension_semantics<core_parallel>, #tpu.dimension_semantics<subcore_parallel>], iteration_bounds = array<i64: 2, 16>, scalar_prefetch = 0 : i64, scratch_operands = 5 : i64, tpu.core_type = #tpu.core_type<sc_vector_subcore>, window_params = [{transform_indices = #map}, {transform_indices = #map}, {transform_indices = #map}, {transform_indices = #map}, {transform_indices = #map1}]} {
    %mul3A = arith.constant 16 : i32
    %mul3A_0 = arith.muli %arg0, %mul3A : i32
    %add3A = arith.addi %mul3A_0, %arg1 : i32
    %mul3A_1 = arith.constant 80 : i32
    %mul3A_2 = arith.muli %add3A, %mul3A_1 : i32
    "tpu.region"() ({
      %run_scoped3A = tpu.sem_alloc : memref<!tpu.dma_semaphore, #tpu.memory_space<semaphore_mem>>
      %dma_start3A = arith.constant 0 : i32
      %dma_start3A_17 = tpu.memref_slice %arg3[%mul3A_2, %dma_start3A] : memref<2560x125xi32, #tpu.memory_space<hbm>> -> memref<80x125xi32, #tpu.memory_space<hbm>>
      %dma_start3A_18 = arith.constant 0 : i32
      %dma_start3A_19 = tpu.memref_slice %arg3[%mul3A_2, %dma_start3A_18] : memref<2560x125xi32, #tpu.memory_space<hbm>> -> memref<80x125xi32, #tpu.memory_space<hbm>>
      tpu.enqueue_dma source(%dma_start3A_19 : memref<80x125xi32, #tpu.memory_space<hbm>>) target(%arg7 : memref<80x125xi32, #tpu.memory_space<vmem>>) target_semaphore(%run_scoped3A : memref<!tpu.dma_semaphore, #tpu.memory_space<semaphore_mem>>)
      %dma_wait3A = arith.constant 0 : i32
      %dma_wait3A_20 = tpu.memref_slice %arg3[%mul3A_2, %dma_wait3A] : memref<2560x125xi32, #tpu.memory_space<hbm>> -> memref<80x125xi32, #tpu.memory_space<hbm>>
      %dma_wait3A_21 = arith.constant 0 : i32
      %dma_wait3A_22 = tpu.memref_slice %arg3[%mul3A_2, %dma_wait3A_21] : memref<2560x125xi32, #tpu.memory_space<hbm>> -> memref<80x125xi32, #tpu.memory_space<hbm>>
      tpu.wait_dma2 semaphore(%run_scoped3A : memref<!tpu.dma_semaphore, #tpu.memory_space<semaphore_mem>>) src(%dma_wait3A_22 : memref<80x125xi32, #tpu.memory_space<hbm>>) dst(%arg7 : memref<80x125xi32, #tpu.memory_space<vmem>>)
      tpu.yield
    }) : () -> ()
    %mul3A_3 = arith.constant 80 : i32
    %mul3A_4 = arith.muli %add3A, %mul3A_3 : i32
    "tpu.region"() ({
      %run_scoped3A = tpu.sem_alloc : memref<!tpu.dma_semaphore, #tpu.memory_space<semaphore_mem>>
      %dma_start3A = arith.constant 0 : i32
      %dma_start3A_17 = tpu.memref_slice %arg4[%mul3A_4, %dma_start3A] : memref<2560x125xi32, #tpu.memory_space<hbm>> -> memref<80x125xi32, #tpu.memory_space<hbm>>
      %dma_start3A_18 = arith.constant 0 : i32
      %dma_start3A_19 = tpu.memref_slice %arg4[%mul3A_4, %dma_start3A_18] : memref<2560x125xi32, #tpu.memory_space<hbm>> -> memref<80x125xi32, #tpu.memory_space<hbm>>
      tpu.enqueue_dma source(%dma_start3A_19 : memref<80x125xi32, #tpu.memory_space<hbm>>) target(%arg8 : memref<80x125xi32, #tpu.memory_space<vmem>>) target_semaphore(%run_scoped3A : memref<!tpu.dma_semaphore, #tpu.memory_space<semaphore_mem>>)
      %dma_wait3A = arith.constant 0 : i32
      %dma_wait3A_20 = tpu.memref_slice %arg4[%mul3A_4, %dma_wait3A] : memref<2560x125xi32, #tpu.memory_space<hbm>> -> memref<80x125xi32, #tpu.memory_space<hbm>>
      %dma_wait3A_21 = arith.constant 0 : i32
      %dma_wait3A_22 = tpu.memref_slice %arg4[%mul3A_4, %dma_wait3A_21] : memref<2560x125xi32, #tpu.memory_space<hbm>> -> memref<80x125xi32, #tpu.memory_space<hbm>>
      tpu.wait_dma2 semaphore(%run_scoped3A : memref<!tpu.dma_semaphore, #tpu.memory_space<semaphore_mem>>) src(%dma_wait3A_22 : memref<80x125xi32, #tpu.memory_space<hbm>>) dst(%arg8 : memref<80x125xi32, #tpu.memory_space<vmem>>)
      tpu.yield
    }) : () -> ()
    %mul3A_5 = arith.constant 632 : i32
    %mul3A_6 = arith.muli %arg1, %mul3A_5 : i32
    "tpu.region"() ({
      %run_scoped3A = tpu.sem_alloc : memref<!tpu.dma_semaphore, #tpu.memory_space<semaphore_mem>>
      %dma_start3A = arith.constant 0 : i32
      %dma_start3A_17 = tpu.memref_slice %arg10[%mul3A_6, %dma_start3A] : memref<10112x128xf32, #tpu.memory_space<vmem_shared>> -> memref<632x128xf32, #tpu.memory_space<vmem_shared>>
      tpu.enqueue_dma source(%arg5 : memref<632x128xf32, #tpu.memory_space<hbm>>) target(%dma_start3A_17 : memref<632x128xf32, #tpu.memory_space<vmem_shared>>) target_semaphore(%run_scoped3A : memref<!tpu.dma_semaphore, #tpu.memory_space<semaphore_mem>>)
      %dma_wait3A = arith.constant 0 : i32
      %dma_wait3A_18 = tpu.memref_slice %arg10[%mul3A_6, %dma_wait3A] : memref<10112x128xf32, #tpu.memory_space<vmem_shared>> -> memref<632x128xf32, #tpu.memory_space<vmem_shared>>
      tpu.wait_dma2 semaphore(%run_scoped3A : memref<!tpu.dma_semaphore, #tpu.memory_space<semaphore_mem>>) src(%arg5 : memref<632x128xf32, #tpu.memory_space<hbm>>) dst(%dma_wait3A_18 : memref<632x128xf32, #tpu.memory_space<vmem_shared>>)
      tpu.yield
    }) : () -> ()
    %barrier3A = arith.constant 0 : index
    tpu.barrier barrier_id(%barrier3A)
    %scan3A = arith.constant 0 : i32
    %scan3A_7 = arith.constant 0 : i32
    %scan3A_8 = arith.constant 80 : i32
    %scan3A_9 = arith.addi %scan3A_7, %scan3A_8 : i32
    %scan3A_10 = arith.constant 1 : i32
    scf.for %scan3A_17 = %scan3A_7 to %scan3A_9 step %scan3A_10  : i32 {
      %dma_start3A = arith.constant 0 : i32
      %dma_start3A_18 = tpu.memref_slice %arg7[%scan3A_17, %dma_start3A] : memref<80x125xi32, #tpu.memory_space<vmem>> -> memref<1x125xi32, #tpu.memory_space<vmem>>
      %dma_start3A_19 = tpu.memref_squeeze %dma_start3A_18 : memref<1x125xi32, #tpu.memory_space<vmem>> -> memref<125xi32, #tpu.memory_space<vmem>>
      %dma_start3A_20 = arith.constant 0 : i32
      %dma_start3A_21 = arith.constant 0 : i32
      %dma_start3A_22 = tpu.memref_slice %arg2[%dma_start3A_20, %dma_start3A_21] : memref<10000x128xf32, #tpu.memory_space<hbm>> -> memref<10000x128xf32, #tpu.memory_space<hbm>>
      tpu.enqueue_indirect_dma source(%dma_start3A_22 : memref<10000x128xf32, #tpu.memory_space<hbm>>) target(%arg9 : memref<125x128xf32, #tpu.memory_space<vmem>>) offsets(%dma_start3A_19 : memref<125xi32, #tpu.memory_space<vmem>>) semaphore(%arg11 : memref<!tpu.dma_semaphore, #tpu.memory_space<semaphore_mem>>)
      %dma_wait3A = arith.constant 0 : i32
      %dma_wait3A_23 = tpu.memref_slice %arg7[%scan3A_17, %dma_wait3A] : memref<80x125xi32, #tpu.memory_space<vmem>> -> memref<1x125xi32, #tpu.memory_space<vmem>>
      %dma_wait3A_24 = tpu.memref_squeeze %dma_wait3A_23 : memref<1x125xi32, #tpu.memory_space<vmem>> -> memref<125xi32, #tpu.memory_space<vmem>>
      %dma_wait3A_25 = arith.constant 0 : i32
      %dma_wait3A_26 = arith.constant 0 : i32
      %dma_wait3A_27 = tpu.memref_slice %arg2[%dma_wait3A_25, %dma_wait3A_26] : memref<10000x128xf32, #tpu.memory_space<hbm>> -> memref<10000x128xf32, #tpu.memory_space<hbm>>
      tpu.wait_indirect_dma semaphore(%arg11 : memref<!tpu.dma_semaphore, #tpu.memory_space<semaphore_mem>>) src(%dma_wait3A_27 : memref<10000x128xf32, #tpu.memory_space<hbm>>) dst(%arg9 : memref<125x128xf32, #tpu.memory_space<vmem>>)
      "tpu.region"() ({
        %run_scoped3A = tpu.sem_alloc : memref<!tpu.dma_semaphore, #tpu.memory_space<semaphore_mem>>
        %dma_start3A_28 = arith.constant 0 : i32
        %dma_start3A_29 = tpu.memref_slice %arg8[%scan3A_17, %dma_start3A_28] : memref<80x125xi32, #tpu.memory_space<vmem>> -> memref<1x125xi32, #tpu.memory_space<vmem>>
        %dma_start3A_30 = tpu.memref_squeeze %dma_start3A_29 : memref<1x125xi32, #tpu.memory_space<vmem>> -> memref<125xi32, #tpu.memory_space<vmem>>
        %dma_start3A_31 = arith.constant 0 : i32
        %dma_start3A_32 = arith.constant 0 : i32
        %dma_start3A_33 = tpu.memref_slice %arg10[%dma_start3A_31, %dma_start3A_32] : memref<10112x128xf32, #tpu.memory_space<vmem_shared>> -> memref<10112x128xf32, #tpu.memory_space<vmem_shared>>
        tpu.enqueue_indirect_dma source(%arg9 : memref<125x128xf32, #tpu.memory_space<vmem>>) target(%dma_start3A_33 : memref<10112x128xf32, #tpu.memory_space<vmem_shared>>) offsets(%dma_start3A_30 : memref<125xi32, #tpu.memory_space<vmem>>) semaphore(%run_scoped3A : memref<!tpu.dma_semaphore, #tpu.memory_space<semaphore_mem>>) {add = true}
        %dma_wait3A_34 = arith.constant 0 : i32
        %dma_wait3A_35 = tpu.memref_slice %arg8[%scan3A_17, %dma_wait3A_34] : memref<80x125xi32, #tpu.memory_space<vmem>> -> memref<1x125xi32, #tpu.memory_space<vmem>>
        %dma_wait3A_36 = tpu.memref_squeeze %dma_wait3A_35 : memref<1x125xi32, #tpu.memory_space<vmem>> -> memref<125xi32, #tpu.memory_space<vmem>>
        %dma_wait3A_37 = arith.constant 0 : i32
        %dma_wait3A_38 = arith.constant 0 : i32
        %dma_wait3A_39 = tpu.memref_slice %arg10[%dma_wait3A_37, %dma_wait3A_38] : memref<10112x128xf32, #tpu.memory_space<vmem_shared>> -> memref<10112x128xf32, #tpu.memory_space<vmem_shared>>
        tpu.wait_indirect_dma semaphore(%run_scoped3A : memref<!tpu.dma_semaphore, #tpu.memory_space<semaphore_mem>>) src(%arg9 : memref<125x128xf32, #tpu.memory_space<vmem>>) dst(%dma_wait3A_39 : memref<10112x128xf32, #tpu.memory_space<vmem_shared>>)
        tpu.yield
      }) : () -> ()
    }
    %scan3A_11 = arith.constant 80 : i32
    %barrier3A_12 = arith.constant 0 : index
    tpu.barrier barrier_id(%barrier3A_12)
    %mul3A_13 = arith.constant 632 : i32
    %mul3A_14 = arith.muli %arg1, %mul3A_13 : i32
    %mul3A_15 = arith.constant 632 : i32
    %mul3A_16 = arith.muli %arg1, %mul3A_15 : i32
    "tpu.region"() ({
      %run_scoped3A = tpu.sem_alloc : memref<!tpu.dma_semaphore, #tpu.memory_space<semaphore_mem>>
      %dma_start3A = arith.constant 0 : i32
      %dma_start3A_17 = arith.constant 0 : i32
      %dma_start3A_18 = tpu.memref_slice %arg6[%arg0, %dma_start3A, %dma_start3A_17] : memref<2x10112x128xf32, #tpu.memory_space<hbm>> -> memref<1x10112x128xf32, #tpu.memory_space<hbm>>
      %dma_start3A_19 = tpu.memref_squeeze %dma_start3A_18 : memref<1x10112x128xf32, #tpu.memory_space<hbm>> -> memref<10112x128xf32, #tpu.memory_space<hbm>>
      %dma_start3A_20 = arith.constant 0 : i32
      %dma_start3A_21 = tpu.memref_slice %dma_start3A_19[%mul3A_16, %dma_start3A_20] : memref<10112x128xf32, #tpu.memory_space<hbm>> -> memref<632x128xf32, #tpu.memory_space<hbm>>
      %dma_start3A_22 = arith.constant 0 : i32
      %dma_start3A_23 = tpu.memref_slice %arg10[%mul3A_14, %dma_start3A_22] : memref<10112x128xf32, #tpu.memory_space<vmem_shared>> -> memref<632x128xf32, #tpu.memory_space<vmem_shared>>
      tpu.enqueue_dma source(%dma_start3A_23 : memref<632x128xf32, #tpu.memory_space<vmem_shared>>) target(%dma_start3A_21 : memref<632x128xf32, #tpu.memory_space<hbm>>) target_semaphore(%run_scoped3A : memref<!tpu.dma_semaphore, #tpu.memory_space<semaphore_mem>>)
      %dma_wait3A = arith.constant 0 : i32
      %dma_wait3A_24 = arith.constant 0 : i32
      %dma_wait3A_25 = tpu.memref_slice %arg6[%arg0, %dma_wait3A, %dma_wait3A_24] : memref<2x10112x128xf32, #tpu.memory_space<hbm>> -> memref<1x10112x128xf32, #tpu.memory_space<hbm>>
      %dma_wait3A_26 = tpu.memref_squeeze %dma_wait3A_25 : memref<1x10112x128xf32, #tpu.memory_space<hbm>> -> memref<10112x128xf32, #tpu.memory_space<hbm>>
      %dma_wait3A_27 = arith.constant 0 : i32
      %dma_wait3A_28 = tpu.memref_slice %dma_wait3A_26[%mul3A_16, %dma_wait3A_27] : memref<10112x128xf32, #tpu.memory_space<hbm>> -> memref<632x128xf32, #tpu.memory_space<hbm>>
      %dma_wait3A_29 = arith.constant 0 : i32
      %dma_wait3A_30 = tpu.memref_slice %arg10[%mul3A_14, %dma_wait3A_29] : memref<10112x128xf32, #tpu.memory_space<vmem_shared>> -> memref<632x128xf32, #tpu.memory_space<vmem_shared>>
      tpu.wait_dma2 semaphore(%run_scoped3A : memref<!tpu.dma_semaphore, #tpu.memory_space<semaphore_mem>>) src(%dma_wait3A_30 : memref<632x128xf32, #tpu.memory_space<vmem_shared>>) dst(%dma_wait3A_28 : memref<632x128xf32, #tpu.memory_space<hbm>>)
      tpu.yield
    }) : () -> ()
    return
  }
}

#map = affine_map<(d0, d1) -> (0, 0)>
#map1 = affine_map<(d0, d1) -> (0, 0, 0)>
module attributes {stable_mosaic.version = 14 : i64} {
  func.func @sc_scatter(%arg0: i32, %arg1: i32, %arg2: memref<10000x128xf32, #tpu.memory_space<hbm>>, %arg3: memref<2560x125xi32, #tpu.memory_space<hbm>>, %arg4: memref<2560x125xi32, #tpu.memory_space<hbm>>, %arg5: memref<632x128xf32, #tpu.memory_space<hbm>>, %arg6: memref<2x10112x128xf32, #tpu.memory_space<hbm>>, %arg7: memref<80x125xi32, #tpu.memory_space<vmem>>, %arg8: memref<80x125xi32, #tpu.memory_space<vmem>>, %arg9: memref<125x128xf32, #tpu.memory_space<vmem>>, %arg10: memref<10112x128xf32, #tpu.memory_space<vmem_shared>>, %arg11: memref<!tpu.dma_semaphore, #tpu.memory_space<semaphore_mem>>) attributes {dimension_semantics = [#tpu.dimension_semantics<core_parallel>, #tpu.dimension_semantics<subcore_parallel>], iteration_bounds = array<i64: 2, 16>, scalar_prefetch = 0 : i64, scratch_operands = 5 : i64, tpu.core_type = #tpu.core_type<sc_vector_subcore>, window_params = [{transform_indices = #map}, {transform_indices = #map}, {transform_indices = #map}, {transform_indices = #map}, {transform_indices = #map1}]} {
    %mul3A = arith.constant 16 : i32
    %mul3A_0 = arith.muli %arg0, %mul3A : i32
    %add3A = arith.addi %mul3A_0, %arg1 : i32
    %mul3A_1 = arith.constant 80 : i32
    %mul3A_2 = arith.muli %add3A, %mul3A_1 : i32
    "tpu.region"() ({
      %run_scoped3A = tpu.sem_alloc : memref<!tpu.dma_semaphore, #tpu.memory_space<semaphore_mem>>
      %dma_start3A = arith.constant 0 : i32
      %dma_start3A_17 = tpu.memref_slice %arg3[%mul3A_2, %dma_start3A] : memref<2560x125xi32, #tpu.memory_space<hbm>> -> memref<80x125xi32, #tpu.memory_space<hbm>>
      %dma_start3A_18 = arith.constant 0 : i32
      %dma_start3A_19 = tpu.memref_slice %arg3[%mul3A_2, %dma_start3A_18] : memref<2560x125xi32, #tpu.memory_space<hbm>> -> memref<80x125xi32, #tpu.memory_space<hbm>>
      tpu.enqueue_dma source(%dma_start3A_19 : memref<80x125xi32, #tpu.memory_space<hbm>>) target(%arg7 : memref<80x125xi32, #tpu.memory_space<vmem>>) target_semaphore(%run_scoped3A : memref<!tpu.dma_semaphore, #tpu.memory_space<semaphore_mem>>)
      %dma_wait3A = arith.constant 0 : i32
      %dma_wait3A_20 = tpu.memref_slice %arg3[%mul3A_2, %dma_wait3A] : memref<2560x125xi32, #tpu.memory_space<hbm>> -> memref<80x125xi32, #tpu.memory_space<hbm>>
      %dma_wait3A_21 = arith.constant 0 : i32
      %dma_wait3A_22 = tpu.memref_slice %arg3[%mul3A_2, %dma_wait3A_21] : memref<2560x125xi32, #tpu.memory_space<hbm>> -> memref<80x125xi32, #tpu.memory_space<hbm>>
      tpu.wait_dma2 semaphore(%run_scoped3A : memref<!tpu.dma_semaphore, #tpu.memory_space<semaphore_mem>>) src(%dma_wait3A_22 : memref<80x125xi32, #tpu.memory_space<hbm>>) dst(%arg7 : memref<80x125xi32, #tpu.memory_space<vmem>>)
      tpu.yield
    }) : () -> ()
    %mul3A_3 = arith.constant 80 : i32
    %mul3A_4 = arith.muli %add3A, %mul3A_3 : i32
    "tpu.region"() ({
      %run_scoped3A = tpu.sem_alloc : memref<!tpu.dma_semaphore, #tpu.memory_space<semaphore_mem>>
      %dma_start3A = arith.constant 0 : i32
      %dma_start3A_17 = tpu.memref_slice %arg4[%mul3A_4, %dma_start3A] : memref<2560x125xi32, #tpu.memory_space<hbm>> -> memref<80x125xi32, #tpu.memory_space<hbm>>
      %dma_start3A_18 = arith.constant 0 : i32
      %dma_start3A_19 = tpu.memref_slice %arg4[%mul3A_4, %dma_start3A_18] : memref<2560x125xi32, #tpu.memory_space<hbm>> -> memref<80x125xi32, #tpu.memory_space<hbm>>
      tpu.enqueue_dma source(%dma_start3A_19 : memref<80x125xi32, #tpu.memory_space<hbm>>) target(%arg8 : memref<80x125xi32, #tpu.memory_space<vmem>>) target_semaphore(%run_scoped3A : memref<!tpu.dma_semaphore, #tpu.memory_space<semaphore_mem>>)
      %dma_wait3A = arith.constant 0 : i32
      %dma_wait3A_20 = tpu.memref_slice %arg4[%mul3A_4, %dma_wait3A] : memref<2560x125xi32, #tpu.memory_space<hbm>> -> memref<80x125xi32, #tpu.memory_space<hbm>>
      %dma_wait3A_21 = arith.constant 0 : i32
      %dma_wait3A_22 = tpu.memref_slice %arg4[%mul3A_4, %dma_wait3A_21] : memref<2560x125xi32, #tpu.memory_space<hbm>> -> memref<80x125xi32, #tpu.memory_space<hbm>>
      tpu.wait_dma2 semaphore(%run_scoped3A : memref<!tpu.dma_semaphore, #tpu.memory_space<semaphore_mem>>) src(%dma_wait3A_22 : memref<80x125xi32, #tpu.memory_space<hbm>>) dst(%arg8 : memref<80x125xi32, #tpu.memory_space<vmem>>)
      tpu.yield
    }) : () -> ()
    %mul3A_5 = arith.constant 632 : i32
    %mul3A_6 = arith.muli %arg1, %mul3A_5 : i32
    "tpu.region"() ({
      %run_scoped3A = tpu.sem_alloc : memref<!tpu.dma_semaphore, #tpu.memory_space<semaphore_mem>>
      %dma_start3A = arith.constant 0 : i32
      %dma_start3A_17 = tpu.memref_slice %arg10[%mul3A_6, %dma_start3A] : memref<10112x128xf32, #tpu.memory_space<vmem_shared>> -> memref<632x128xf32, #tpu.memory_space<vmem_shared>>
      tpu.enqueue_dma source(%arg5 : memref<632x128xf32, #tpu.memory_space<hbm>>) target(%dma_start3A_17 : memref<632x128xf32, #tpu.memory_space<vmem_shared>>) target_semaphore(%run_scoped3A : memref<!tpu.dma_semaphore, #tpu.memory_space<semaphore_mem>>)
      %dma_wait3A = arith.constant 0 : i32
      %dma_wait3A_18 = tpu.memref_slice %arg10[%mul3A_6, %dma_wait3A] : memref<10112x128xf32, #tpu.memory_space<vmem_shared>> -> memref<632x128xf32, #tpu.memory_space<vmem_shared>>
      tpu.wait_dma2 semaphore(%run_scoped3A : memref<!tpu.dma_semaphore, #tpu.memory_space<semaphore_mem>>) src(%arg5 : memref<632x128xf32, #tpu.memory_space<hbm>>) dst(%dma_wait3A_18 : memref<632x128xf32, #tpu.memory_space<vmem_shared>>)
      tpu.yield
    }) : () -> ()
    %barrier3A = arith.constant 0 : index
    tpu.barrier barrier_id(%barrier3A)
    %scan3A = arith.constant 0 : i32
    %scan3A_7 = arith.constant 0 : i32
    %scan3A_8 = arith.constant 80 : i32
    %scan3A_9 = arith.addi %scan3A_7, %scan3A_8 : i32
    %scan3A_10 = arith.constant 1 : i32
    scf.for %scan3A_17 = %scan3A_7 to %scan3A_9 step %scan3A_10  : i32 {
      %dma_start3A = arith.constant 0 : i32
      %dma_start3A_18 = tpu.memref_slice %arg7[%scan3A_17, %dma_start3A] : memref<80x125xi32, #tpu.memory_space<vmem>> -> memref<1x125xi32, #tpu.memory_space<vmem>>
      %dma_start3A_19 = tpu.memref_squeeze %dma_start3A_18 : memref<1x125xi32, #tpu.memory_space<vmem>> -> memref<125xi32, #tpu.memory_space<vmem>>
      %dma_start3A_20 = arith.constant 0 : i32
      %dma_start3A_21 = arith.constant 0 : i32
      %dma_start3A_22 = tpu.memref_slice %arg2[%dma_start3A_20, %dma_start3A_21] : memref<10000x128xf32, #tpu.memory_space<hbm>> -> memref<10000x128xf32, #tpu.memory_space<hbm>>
      tpu.enqueue_indirect_dma source(%dma_start3A_22 : memref<10000x128xf32, #tpu.memory_space<hbm>>) target(%arg9 : memref<125x128xf32, #tpu.memory_space<vmem>>) offsets(%dma_start3A_19 : memref<125xi32, #tpu.memory_space<vmem>>) semaphore(%arg11 : memref<!tpu.dma_semaphore, #tpu.memory_space<semaphore_mem>>)
      %dma_wait3A = arith.constant 0 : i32
      %dma_wait3A_23 = tpu.memref_slice %arg7[%scan3A_17, %dma_wait3A] : memref<80x125xi32, #tpu.memory_space<vmem>> -> memref<1x125xi32, #tpu.memory_space<vmem>>
      %dma_wait3A_24 = tpu.memref_squeeze %dma_wait3A_23 : memref<1x125xi32, #tpu.memory_space<vmem>> -> memref<125xi32, #tpu.memory_space<vmem>>
      %dma_wait3A_25 = arith.constant 0 : i32
      %dma_wait3A_26 = arith.constant 0 : i32
      %dma_wait3A_27 = tpu.memref_slice %arg2[%dma_wait3A_25, %dma_wait3A_26] : memref<10000x128xf32, #tpu.memory_space<hbm>> -> memref<10000x128xf32, #tpu.memory_space<hbm>>
      tpu.wait_indirect_dma semaphore(%arg11 : memref<!tpu.dma_semaphore, #tpu.memory_space<semaphore_mem>>) src(%dma_wait3A_27 : memref<10000x128xf32, #tpu.memory_space<hbm>>) dst(%arg9 : memref<125x128xf32, #tpu.memory_space<vmem>>)
      "tpu.region"() ({
        %run_scoped3A = tpu.sem_alloc : memref<!tpu.dma_semaphore, #tpu.memory_space<semaphore_mem>>
        %dma_start3A_28 = arith.constant 0 : i32
        %dma_start3A_29 = tpu.memref_slice %arg8[%scan3A_17, %dma_start3A_28] : memref<80x125xi32, #tpu.memory_space<vmem>> -> memref<1x125xi32, #tpu.memory_space<vmem>>
        %dma_start3A_30 = tpu.memref_squeeze %dma_start3A_29 : memref<1x125xi32, #tpu.memory_space<vmem>> -> memref<125xi32, #tpu.memory_space<vmem>>
        %dma_start3A_31 = arith.constant 0 : i32
        %dma_start3A_32 = arith.constant 0 : i32
        %dma_start3A_33 = tpu.memref_slice %arg10[%dma_start3A_31, %dma_start3A_32] : memref<10112x128xf32, #tpu.memory_space<vmem_shared>> -> memref<10112x128xf32, #tpu.memory_space<vmem_shared>>
        tpu.enqueue_indirect_dma source(%arg9 : memref<125x128xf32, #tpu.memory_space<vmem>>) target(%dma_start3A_33 : memref<10112x128xf32, #tpu.memory_space<vmem_shared>>) offsets(%dma_start3A_30 : memref<125xi32, #tpu.memory_space<vmem>>) semaphore(%run_scoped3A : memref<!tpu.dma_semaphore, #tpu.memory_space<semaphore_mem>>) {add = true}
        %dma_wait3A_34 = arith.constant 0 : i32
        %dma_wait3A_35 = tpu.memref_slice %arg8[%scan3A_17, %dma_wait3A_34] : memref<80x125xi32, #tpu.memory_space<vmem>> -> memref<1x125xi32, #tpu.memory_space<vmem>>
        %dma_wait3A_36 = tpu.memref_squeeze %dma_wait3A_35 : memref<1x125xi32, #tpu.memory_space<vmem>> -> memref<125xi32, #tpu.memory_space<vmem>>
        %dma_wait3A_37 = arith.constant 0 : i32
        %dma_wait3A_38 = arith.constant 0 : i32
        %dma_wait3A_39 = tpu.memref_slice %arg10[%dma_wait3A_37, %dma_wait3A_38] : memref<10112x128xf32, #tpu.memory_space<vmem_shared>> -> memref<10112x128xf32, #tpu.memory_space<vmem_shared>>
        tpu.wait_indirect_dma semaphore(%run_scoped3A : memref<!tpu.dma_semaphore, #tpu.memory_space<semaphore_mem>>) src(%arg9 : memref<125x128xf32, #tpu.memory_space<vmem>>) dst(%dma_wait3A_39 : memref<10112x128xf32, #tpu.memory_space<vmem_shared>>)
        tpu.yield
      }) : () -> ()
    }
    %scan3A_11 = arith.constant 80 : i32
    %barrier3A_12 = arith.constant 0 : index
    tpu.barrier barrier_id(%barrier3A_12)
    %mul3A_13 = arith.constant 632 : i32
    %mul3A_14 = arith.muli %arg1, %mul3A_13 : i32
    %mul3A_15 = arith.constant 632 : i32
    %mul3A_16 = arith.muli %arg1, %mul3A_15 : i32
    "tpu.region"() ({
      %run_scoped3A = tpu.sem_alloc : memref<!tpu.dma_semaphore, #tpu.memory_space<semaphore_mem>>
      %dma_start3A = arith.constant 0 : i32
      %dma_start3A_17 = arith.constant 0 : i32
      %dma_start3A_18 = tpu.memref_slice %arg6[%arg0, %dma_start3A, %dma_start3A_17] : memref<2x10112x128xf32, #tpu.memory_space<hbm>> -> memref<1x10112x128xf32, #tpu.memory_space<hbm>>
      %dma_start3A_19 = tpu.memref_squeeze %dma_start3A_18 : memref<1x10112x128xf32, #tpu.memory_space<hbm>> -> memref<10112x128xf32, #tpu.memory_space<hbm>>
      %dma_start3A_20 = arith.constant 0 : i32
      %dma_start3A_21 = tpu.memref_slice %dma_start3A_19[%mul3A_16, %dma_start3A_20] : memref<10112x128xf32, #tpu.memory_space<hbm>> -> memref<632x128xf32, #tpu.memory_space<hbm>>
      %dma_start3A_22 = arith.constant 0 : i32
      %dma_start3A_23 = tpu.memref_slice %arg10[%mul3A_14, %dma_start3A_22] : memref<10112x128xf32, #tpu.memory_space<vmem_shared>> -> memref<632x128xf32, #tpu.memory_space<vmem_shared>>
      tpu.enqueue_dma source(%dma_start3A_23 : memref<632x128xf32, #tpu.memory_space<vmem_shared>>) target(%dma_start3A_21 : memref<632x128xf32, #tpu.memory_space<hbm>>) target_semaphore(%run_scoped3A : memref<!tpu.dma_semaphore, #tpu.memory_space<semaphore_mem>>)
      %dma_wait3A = arith.constant 0 : i32
      %dma_wait3A_24 = arith.constant 0 : i32
      %dma_wait3A_25 = tpu.memref_slice %arg6[%arg0, %dma_wait3A, %dma_wait3A_24] : memref<2x10112x128xf32, #tpu.memory_space<hbm>> -> memref<1x10112x128xf32, #tpu.memory_space<hbm>>
      %dma_wait3A_26 = tpu.memref_squeeze %dma_wait3A_25 : memref<1x10112x128xf32, #tpu.memory_space<hbm>> -> memref<10112x128xf32, #tpu.memory_space<hbm>>
      %dma_wait3A_27 = arith.constant 0 : i32
      %dma_wait3A_28 = tpu.memref_slice %dma_wait3A_26[%mul3A_16, %dma_wait3A_27] : memref<10112x128xf32, #tpu.memory_space<hbm>> -> memref<632x128xf32, #tpu.memory_space<hbm>>
      %dma_wait3A_29 = arith.constant 0 : i32
      %dma_wait3A_30 = tpu.memref_slice %arg10[%mul3A_14, %dma_wait3A_29] : memref<10112x128xf32, #tpu.memory_space<vmem_shared>> -> memref<632x128xf32, #tpu.memory_space<vmem_shared>>
      tpu.wait_dma2 semaphore(%run_scoped3A : memref<!tpu.dma_semaphore, #tpu.memory_space<semaphore_mem>>) src(%dma_wait3A_30 : memref<632x128xf32, #tpu.memory_space<vmem_shared>>) dst(%dma_wait3A_28 : memref<632x128xf32, #tpu.memory_space<hbm>>)
      tpu.yield
    }) : () -> ()
    return
  }
}

#map = affine_map<(d0, d1) -> (0, 0)>
#map1 = affine_map<(d0, d1) -> (0, 0, 0)>
module attributes {stable_mosaic.version = 14 : i64} {
  func.func @sc_degree(%arg0: i32, %arg1: i32, %arg2: memref<2560x125xi32, #tpu.memory_space<hbm>>, %arg3: memref<632x128xf32, #tpu.memory_space<hbm>>, %arg4: memref<125x128xf32, #tpu.memory_space<hbm>>, %arg5: memref<2x10112x128xf32, #tpu.memory_space<hbm>>, %arg6: memref<80x125xi32, #tpu.memory_space<vmem>>, %arg7: memref<125x128xf32, #tpu.memory_space<vmem>>, %arg8: memref<10112x128xf32, #tpu.memory_space<vmem_shared>>) attributes {dimension_semantics = [#tpu.dimension_semantics<core_parallel>, #tpu.dimension_semantics<subcore_parallel>], iteration_bounds = array<i64: 2, 16>, scalar_prefetch = 0 : i64, scratch_operands = 3 : i64, tpu.core_type = #tpu.core_type<sc_vector_subcore>, window_params = [{transform_indices = #map}, {transform_indices = #map}, {transform_indices = #map}, {transform_indices = #map1}]} {
    %mul3A = arith.constant 16 : i32
    %mul3A_0 = arith.muli %arg0, %mul3A : i32
    %add3A = arith.addi %mul3A_0, %arg1 : i32
    %mul3A_1 = arith.constant 80 : i32
    %mul3A_2 = arith.muli %add3A, %mul3A_1 : i32
    "tpu.region"() ({
      %run_scoped3A = tpu.sem_alloc : memref<!tpu.dma_semaphore, #tpu.memory_space<semaphore_mem>>
      %dma_start3A = arith.constant 0 : i32
      %dma_start3A_15 = tpu.memref_slice %arg2[%mul3A_2, %dma_start3A] : memref<2560x125xi32, #tpu.memory_space<hbm>> -> memref<80x125xi32, #tpu.memory_space<hbm>>
      %dma_start3A_16 = arith.constant 0 : i32
      %dma_start3A_17 = tpu.memref_slice %arg2[%mul3A_2, %dma_start3A_16] : memref<2560x125xi32, #tpu.memory_space<hbm>> -> memref<80x125xi32, #tpu.memory_space<hbm>>
      tpu.enqueue_dma source(%dma_start3A_17 : memref<80x125xi32, #tpu.memory_space<hbm>>) target(%arg6 : memref<80x125xi32, #tpu.memory_space<vmem>>) target_semaphore(%run_scoped3A : memref<!tpu.dma_semaphore, #tpu.memory_space<semaphore_mem>>)
      %dma_wait3A = arith.constant 0 : i32
      %dma_wait3A_18 = tpu.memref_slice %arg2[%mul3A_2, %dma_wait3A] : memref<2560x125xi32, #tpu.memory_space<hbm>> -> memref<80x125xi32, #tpu.memory_space<hbm>>
      %dma_wait3A_19 = arith.constant 0 : i32
      %dma_wait3A_20 = tpu.memref_slice %arg2[%mul3A_2, %dma_wait3A_19] : memref<2560x125xi32, #tpu.memory_space<hbm>> -> memref<80x125xi32, #tpu.memory_space<hbm>>
      tpu.wait_dma2 semaphore(%run_scoped3A : memref<!tpu.dma_semaphore, #tpu.memory_space<semaphore_mem>>) src(%dma_wait3A_20 : memref<80x125xi32, #tpu.memory_space<hbm>>) dst(%arg6 : memref<80x125xi32, #tpu.memory_space<vmem>>)
      tpu.yield
    }) : () -> ()
    "tpu.region"() ({
      %run_scoped3A = tpu.sem_alloc : memref<!tpu.dma_semaphore, #tpu.memory_space<semaphore_mem>>
      tpu.enqueue_dma source(%arg4 : memref<125x128xf32, #tpu.memory_space<hbm>>) target(%arg7 : memref<125x128xf32, #tpu.memory_space<vmem>>) target_semaphore(%run_scoped3A : memref<!tpu.dma_semaphore, #tpu.memory_space<semaphore_mem>>)
      tpu.wait_dma2 semaphore(%run_scoped3A : memref<!tpu.dma_semaphore, #tpu.memory_space<semaphore_mem>>) src(%arg4 : memref<125x128xf32, #tpu.memory_space<hbm>>) dst(%arg7 : memref<125x128xf32, #tpu.memory_space<vmem>>)
      tpu.yield
    }) : () -> ()
    %mul3A_3 = arith.constant 632 : i32
    %mul3A_4 = arith.muli %arg1, %mul3A_3 : i32
    "tpu.region"() ({
      %run_scoped3A = tpu.sem_alloc : memref<!tpu.dma_semaphore, #tpu.memory_space<semaphore_mem>>
      %dma_start3A = arith.constant 0 : i32
      %dma_start3A_15 = tpu.memref_slice %arg8[%mul3A_4, %dma_start3A] : memref<10112x128xf32, #tpu.memory_space<vmem_shared>> -> memref<632x128xf32, #tpu.memory_space<vmem_shared>>
      tpu.enqueue_dma source(%arg3 : memref<632x128xf32, #tpu.memory_space<hbm>>) target(%dma_start3A_15 : memref<632x128xf32, #tpu.memory_space<vmem_shared>>) target_semaphore(%run_scoped3A : memref<!tpu.dma_semaphore, #tpu.memory_space<semaphore_mem>>)
      %dma_wait3A = arith.constant 0 : i32
      %dma_wait3A_16 = tpu.memref_slice %arg8[%mul3A_4, %dma_wait3A] : memref<10112x128xf32, #tpu.memory_space<vmem_shared>> -> memref<632x128xf32, #tpu.memory_space<vmem_shared>>
      tpu.wait_dma2 semaphore(%run_scoped3A : memref<!tpu.dma_semaphore, #tpu.memory_space<semaphore_mem>>) src(%arg3 : memref<632x128xf32, #tpu.memory_space<hbm>>) dst(%dma_wait3A_16 : memref<632x128xf32, #tpu.memory_space<vmem_shared>>)
      tpu.yield
    }) : () -> ()
    %barrier3A = arith.constant 0 : index
    tpu.barrier barrier_id(%barrier3A)
    %scan3A = arith.constant 0 : i32
    %scan3A_5 = arith.constant 0 : i32
    %scan3A_6 = arith.constant 80 : i32
    %scan3A_7 = arith.addi %scan3A_5, %scan3A_6 : i32
    %scan3A_8 = arith.constant 1 : i32
    scf.for %scan3A_15 = %scan3A_5 to %scan3A_7 step %scan3A_8  : i32 {
      "tpu.region"() ({
        %run_scoped3A = tpu.sem_alloc : memref<!tpu.dma_semaphore, #tpu.memory_space<semaphore_mem>>
        %dma_start3A = arith.constant 0 : i32
        %dma_start3A_16 = tpu.memref_slice %arg6[%scan3A_15, %dma_start3A] : memref<80x125xi32, #tpu.memory_space<vmem>> -> memref<1x125xi32, #tpu.memory_space<vmem>>
        %dma_start3A_17 = tpu.memref_squeeze %dma_start3A_16 : memref<1x125xi32, #tpu.memory_space<vmem>> -> memref<125xi32, #tpu.memory_space<vmem>>
        %dma_start3A_18 = arith.constant 0 : i32
        %dma_start3A_19 = arith.constant 0 : i32
        %dma_start3A_20 = tpu.memref_slice %arg8[%dma_start3A_18, %dma_start3A_19] : memref<10112x128xf32, #tpu.memory_space<vmem_shared>> -> memref<10112x128xf32, #tpu.memory_space<vmem_shared>>
        tpu.enqueue_indirect_dma source(%arg7 : memref<125x128xf32, #tpu.memory_space<vmem>>) target(%dma_start3A_20 : memref<10112x128xf32, #tpu.memory_space<vmem_shared>>) offsets(%dma_start3A_17 : memref<125xi32, #tpu.memory_space<vmem>>) semaphore(%run_scoped3A : memref<!tpu.dma_semaphore, #tpu.memory_space<semaphore_mem>>) {add = true}
        %dma_wait3A = arith.constant 0 : i32
        %dma_wait3A_21 = tpu.memref_slice %arg6[%scan3A_15, %dma_wait3A] : memref<80x125xi32, #tpu.memory_space<vmem>> -> memref<1x125xi32, #tpu.memory_space<vmem>>
        %dma_wait3A_22 = tpu.memref_squeeze %dma_wait3A_21 : memref<1x125xi32, #tpu.memory_space<vmem>> -> memref<125xi32, #tpu.memory_space<vmem>>
        %dma_wait3A_23 = arith.constant 0 : i32
        %dma_wait3A_24 = arith.constant 0 : i32
        %dma_wait3A_25 = tpu.memref_slice %arg8[%dma_wait3A_23, %dma_wait3A_24] : memref<10112x128xf32, #tpu.memory_space<vmem_shared>> -> memref<10112x128xf32, #tpu.memory_space<vmem_shared>>
        tpu.wait_indirect_dma semaphore(%run_scoped3A : memref<!tpu.dma_semaphore, #tpu.memory_space<semaphore_mem>>) src(%arg7 : memref<125x128xf32, #tpu.memory_space<vmem>>) dst(%dma_wait3A_25 : memref<10112x128xf32, #tpu.memory_space<vmem_shared>>)
        tpu.yield
      }) : () -> ()
    }
    %scan3A_9 = arith.constant 80 : i32
    %barrier3A_10 = arith.constant 0 : index
    tpu.barrier barrier_id(%barrier3A_10)
    %mul3A_11 = arith.constant 632 : i32
    %mul3A_12 = arith.muli %arg1, %mul3A_11 : i32
    %mul3A_13 = arith.constant 632 : i32
    %mul3A_14 = arith.muli %arg1, %mul3A_13 : i32
    "tpu.region"() ({
      %run_scoped3A = tpu.sem_alloc : memref<!tpu.dma_semaphore, #tpu.memory_space<semaphore_mem>>
      %dma_start3A = arith.constant 0 : i32
      %dma_start3A_15 = arith.constant 0 : i32
      %dma_start3A_16 = tpu.memref_slice %arg5[%arg0, %dma_start3A, %dma_start3A_15] : memref<2x10112x128xf32, #tpu.memory_space<hbm>> -> memref<1x10112x128xf32, #tpu.memory_space<hbm>>
      %dma_start3A_17 = tpu.memref_squeeze %dma_start3A_16 : memref<1x10112x128xf32, #tpu.memory_space<hbm>> -> memref<10112x128xf32, #tpu.memory_space<hbm>>
      %dma_start3A_18 = arith.constant 0 : i32
      %dma_start3A_19 = tpu.memref_slice %dma_start3A_17[%mul3A_14, %dma_start3A_18] : memref<10112x128xf32, #tpu.memory_space<hbm>> -> memref<632x128xf32, #tpu.memory_space<hbm>>
      %dma_start3A_20 = arith.constant 0 : i32
      %dma_start3A_21 = tpu.memref_slice %arg8[%mul3A_12, %dma_start3A_20] : memref<10112x128xf32, #tpu.memory_space<vmem_shared>> -> memref<632x128xf32, #tpu.memory_space<vmem_shared>>
      tpu.enqueue_dma source(%dma_start3A_21 : memref<632x128xf32, #tpu.memory_space<vmem_shared>>) target(%dma_start3A_19 : memref<632x128xf32, #tpu.memory_space<hbm>>) target_semaphore(%run_scoped3A : memref<!tpu.dma_semaphore, #tpu.memory_space<semaphore_mem>>)
      %dma_wait3A = arith.constant 0 : i32
      %dma_wait3A_22 = arith.constant 0 : i32
      %dma_wait3A_23 = tpu.memref_slice %arg5[%arg0, %dma_wait3A, %dma_wait3A_22] : memref<2x10112x128xf32, #tpu.memory_space<hbm>> -> memref<1x10112x128xf32, #tpu.memory_space<hbm>>
      %dma_wait3A_24 = tpu.memref_squeeze %dma_wait3A_23 : memref<1x10112x128xf32, #tpu.memory_space<hbm>> -> memref<10112x128xf32, #tpu.memory_space<hbm>>
      %dma_wait3A_25 = arith.constant 0 : i32
      %dma_wait3A_26 = tpu.memref_slice %dma_wait3A_24[%mul3A_14, %dma_wait3A_25] : memref<10112x128xf32, #tpu.memory_space<hbm>> -> memref<632x128xf32, #tpu.memory_space<hbm>>
      %dma_wait3A_27 = arith.constant 0 : i32
      %dma_wait3A_28 = tpu.memref_slice %arg8[%mul3A_12, %dma_wait3A_27] : memref<10112x128xf32, #tpu.memory_space<vmem_shared>> -> memref<632x128xf32, #tpu.memory_space<vmem_shared>>
      tpu.wait_dma2 semaphore(%run_scoped3A : memref<!tpu.dma_semaphore, #tpu.memory_space<semaphore_mem>>) src(%dma_wait3A_28 : memref<632x128xf32, #tpu.memory_space<vmem_shared>>) dst(%dma_wait3A_26 : memref<632x128xf32, #tpu.memory_space<hbm>>)
      tpu.yield
    }) : () -> ()
    return
  }
}

#map = affine_map<(d0, d1) -> (0, 0)>
#map1 = affine_map<(d0, d1) -> (0, 0, 0)>
module attributes {stable_mosaic.version = 14 : i64} {
  func.func @sc_scatter(%arg0: i32, %arg1: i32, %arg2: memref<10000x128xf32, #tpu.memory_space<hbm>>, %arg3: memref<2560x125xi32, #tpu.memory_space<hbm>>, %arg4: memref<2560x125xi32, #tpu.memory_space<hbm>>, %arg5: memref<632x128xf32, #tpu.memory_space<hbm>>, %arg6: memref<2x10112x128xf32, #tpu.memory_space<hbm>>, %arg7: memref<80x125xi32, #tpu.memory_space<vmem>>, %arg8: memref<80x125xi32, #tpu.memory_space<vmem>>, %arg9: memref<125x128xf32, #tpu.memory_space<vmem>>, %arg10: memref<10112x128xf32, #tpu.memory_space<vmem_shared>>, %arg11: memref<!tpu.dma_semaphore, #tpu.memory_space<semaphore_mem>>) attributes {dimension_semantics = [#tpu.dimension_semantics<core_parallel>, #tpu.dimension_semantics<subcore_parallel>], iteration_bounds = array<i64: 2, 16>, scalar_prefetch = 0 : i64, scratch_operands = 5 : i64, tpu.core_type = #tpu.core_type<sc_vector_subcore>, window_params = [{transform_indices = #map}, {transform_indices = #map}, {transform_indices = #map}, {transform_indices = #map}, {transform_indices = #map1}]} {
    %mul3A = arith.constant 16 : i32
    %mul3A_0 = arith.muli %arg0, %mul3A : i32
    %add3A = arith.addi %mul3A_0, %arg1 : i32
    %mul3A_1 = arith.constant 80 : i32
    %mul3A_2 = arith.muli %add3A, %mul3A_1 : i32
    "tpu.region"() ({
      %run_scoped3A = tpu.sem_alloc : memref<!tpu.dma_semaphore, #tpu.memory_space<semaphore_mem>>
      %dma_start3A = arith.constant 0 : i32
      %dma_start3A_17 = tpu.memref_slice %arg3[%mul3A_2, %dma_start3A] : memref<2560x125xi32, #tpu.memory_space<hbm>> -> memref<80x125xi32, #tpu.memory_space<hbm>>
      %dma_start3A_18 = arith.constant 0 : i32
      %dma_start3A_19 = tpu.memref_slice %arg3[%mul3A_2, %dma_start3A_18] : memref<2560x125xi32, #tpu.memory_space<hbm>> -> memref<80x125xi32, #tpu.memory_space<hbm>>
      tpu.enqueue_dma source(%dma_start3A_19 : memref<80x125xi32, #tpu.memory_space<hbm>>) target(%arg7 : memref<80x125xi32, #tpu.memory_space<vmem>>) target_semaphore(%run_scoped3A : memref<!tpu.dma_semaphore, #tpu.memory_space<semaphore_mem>>)
      %dma_wait3A = arith.constant 0 : i32
      %dma_wait3A_20 = tpu.memref_slice %arg3[%mul3A_2, %dma_wait3A] : memref<2560x125xi32, #tpu.memory_space<hbm>> -> memref<80x125xi32, #tpu.memory_space<hbm>>
      %dma_wait3A_21 = arith.constant 0 : i32
      %dma_wait3A_22 = tpu.memref_slice %arg3[%mul3A_2, %dma_wait3A_21] : memref<2560x125xi32, #tpu.memory_space<hbm>> -> memref<80x125xi32, #tpu.memory_space<hbm>>
      tpu.wait_dma2 semaphore(%run_scoped3A : memref<!tpu.dma_semaphore, #tpu.memory_space<semaphore_mem>>) src(%dma_wait3A_22 : memref<80x125xi32, #tpu.memory_space<hbm>>) dst(%arg7 : memref<80x125xi32, #tpu.memory_space<vmem>>)
      tpu.yield
    }) : () -> ()
    %mul3A_3 = arith.constant 80 : i32
    %mul3A_4 = arith.muli %add3A, %mul3A_3 : i32
    "tpu.region"() ({
      %run_scoped3A = tpu.sem_alloc : memref<!tpu.dma_semaphore, #tpu.memory_space<semaphore_mem>>
      %dma_start3A = arith.constant 0 : i32
      %dma_start3A_17 = tpu.memref_slice %arg4[%mul3A_4, %dma_start3A] : memref<2560x125xi32, #tpu.memory_space<hbm>> -> memref<80x125xi32, #tpu.memory_space<hbm>>
      %dma_start3A_18 = arith.constant 0 : i32
      %dma_start3A_19 = tpu.memref_slice %arg4[%mul3A_4, %dma_start3A_18] : memref<2560x125xi32, #tpu.memory_space<hbm>> -> memref<80x125xi32, #tpu.memory_space<hbm>>
      tpu.enqueue_dma source(%dma_start3A_19 : memref<80x125xi32, #tpu.memory_space<hbm>>) target(%arg8 : memref<80x125xi32, #tpu.memory_space<vmem>>) target_semaphore(%run_scoped3A : memref<!tpu.dma_semaphore, #tpu.memory_space<semaphore_mem>>)
      %dma_wait3A = arith.constant 0 : i32
      %dma_wait3A_20 = tpu.memref_slice %arg4[%mul3A_4, %dma_wait3A] : memref<2560x125xi32, #tpu.memory_space<hbm>> -> memref<80x125xi32, #tpu.memory_space<hbm>>
      %dma_wait3A_21 = arith.constant 0 : i32
      %dma_wait3A_22 = tpu.memref_slice %arg4[%mul3A_4, %dma_wait3A_21] : memref<2560x125xi32, #tpu.memory_space<hbm>> -> memref<80x125xi32, #tpu.memory_space<hbm>>
      tpu.wait_dma2 semaphore(%run_scoped3A : memref<!tpu.dma_semaphore, #tpu.memory_space<semaphore_mem>>) src(%dma_wait3A_22 : memref<80x125xi32, #tpu.memory_space<hbm>>) dst(%arg8 : memref<80x125xi32, #tpu.memory_space<vmem>>)
      tpu.yield
    }) : () -> ()
    %mul3A_5 = arith.constant 632 : i32
    %mul3A_6 = arith.muli %arg1, %mul3A_5 : i32
    "tpu.region"() ({
      %run_scoped3A = tpu.sem_alloc : memref<!tpu.dma_semaphore, #tpu.memory_space<semaphore_mem>>
      %dma_start3A = arith.constant 0 : i32
      %dma_start3A_17 = tpu.memref_slice %arg10[%mul3A_6, %dma_start3A] : memref<10112x128xf32, #tpu.memory_space<vmem_shared>> -> memref<632x128xf32, #tpu.memory_space<vmem_shared>>
      tpu.enqueue_dma source(%arg5 : memref<632x128xf32, #tpu.memory_space<hbm>>) target(%dma_start3A_17 : memref<632x128xf32, #tpu.memory_space<vmem_shared>>) target_semaphore(%run_scoped3A : memref<!tpu.dma_semaphore, #tpu.memory_space<semaphore_mem>>)
      %dma_wait3A = arith.constant 0 : i32
      %dma_wait3A_18 = tpu.memref_slice %arg10[%mul3A_6, %dma_wait3A] : memref<10112x128xf32, #tpu.memory_space<vmem_shared>> -> memref<632x128xf32, #tpu.memory_space<vmem_shared>>
      tpu.wait_dma2 semaphore(%run_scoped3A : memref<!tpu.dma_semaphore, #tpu.memory_space<semaphore_mem>>) src(%arg5 : memref<632x128xf32, #tpu.memory_space<hbm>>) dst(%dma_wait3A_18 : memref<632x128xf32, #tpu.memory_space<vmem_shared>>)
      tpu.yield
    }) : () -> ()
    %barrier3A = arith.constant 0 : index
    tpu.barrier barrier_id(%barrier3A)
    %scan3A = arith.constant 0 : i32
    %scan3A_7 = arith.constant 0 : i32
    %scan3A_8 = arith.constant 80 : i32
    %scan3A_9 = arith.addi %scan3A_7, %scan3A_8 : i32
    %scan3A_10 = arith.constant 1 : i32
    scf.for %scan3A_17 = %scan3A_7 to %scan3A_9 step %scan3A_10  : i32 {
      %dma_start3A = arith.constant 0 : i32
      %dma_start3A_18 = tpu.memref_slice %arg7[%scan3A_17, %dma_start3A] : memref<80x125xi32, #tpu.memory_space<vmem>> -> memref<1x125xi32, #tpu.memory_space<vmem>>
      %dma_start3A_19 = tpu.memref_squeeze %dma_start3A_18 : memref<1x125xi32, #tpu.memory_space<vmem>> -> memref<125xi32, #tpu.memory_space<vmem>>
      %dma_start3A_20 = arith.constant 0 : i32
      %dma_start3A_21 = arith.constant 0 : i32
      %dma_start3A_22 = tpu.memref_slice %arg2[%dma_start3A_20, %dma_start3A_21] : memref<10000x128xf32, #tpu.memory_space<hbm>> -> memref<10000x128xf32, #tpu.memory_space<hbm>>
      tpu.enqueue_indirect_dma source(%dma_start3A_22 : memref<10000x128xf32, #tpu.memory_space<hbm>>) target(%arg9 : memref<125x128xf32, #tpu.memory_space<vmem>>) offsets(%dma_start3A_19 : memref<125xi32, #tpu.memory_space<vmem>>) semaphore(%arg11 : memref<!tpu.dma_semaphore, #tpu.memory_space<semaphore_mem>>)
      %dma_wait3A = arith.constant 0 : i32
      %dma_wait3A_23 = tpu.memref_slice %arg7[%scan3A_17, %dma_wait3A] : memref<80x125xi32, #tpu.memory_space<vmem>> -> memref<1x125xi32, #tpu.memory_space<vmem>>
      %dma_wait3A_24 = tpu.memref_squeeze %dma_wait3A_23 : memref<1x125xi32, #tpu.memory_space<vmem>> -> memref<125xi32, #tpu.memory_space<vmem>>
      %dma_wait3A_25 = arith.constant 0 : i32
      %dma_wait3A_26 = arith.constant 0 : i32
      %dma_wait3A_27 = tpu.memref_slice %arg2[%dma_wait3A_25, %dma_wait3A_26] : memref<10000x128xf32, #tpu.memory_space<hbm>> -> memref<10000x128xf32, #tpu.memory_space<hbm>>
      tpu.wait_indirect_dma semaphore(%arg11 : memref<!tpu.dma_semaphore, #tpu.memory_space<semaphore_mem>>) src(%dma_wait3A_27 : memref<10000x128xf32, #tpu.memory_space<hbm>>) dst(%arg9 : memref<125x128xf32, #tpu.memory_space<vmem>>)
      "tpu.region"() ({
        %run_scoped3A = tpu.sem_alloc : memref<!tpu.dma_semaphore, #tpu.memory_space<semaphore_mem>>
        %dma_start3A_28 = arith.constant 0 : i32
        %dma_start3A_29 = tpu.memref_slice %arg8[%scan3A_17, %dma_start3A_28] : memref<80x125xi32, #tpu.memory_space<vmem>> -> memref<1x125xi32, #tpu.memory_space<vmem>>
        %dma_start3A_30 = tpu.memref_squeeze %dma_start3A_29 : memref<1x125xi32, #tpu.memory_space<vmem>> -> memref<125xi32, #tpu.memory_space<vmem>>
        %dma_start3A_31 = arith.constant 0 : i32
        %dma_start3A_32 = arith.constant 0 : i32
        %dma_start3A_33 = tpu.memref_slice %arg10[%dma_start3A_31, %dma_start3A_32] : memref<10112x128xf32, #tpu.memory_space<vmem_shared>> -> memref<10112x128xf32, #tpu.memory_space<vmem_shared>>
        tpu.enqueue_indirect_dma source(%arg9 : memref<125x128xf32, #tpu.memory_space<vmem>>) target(%dma_start3A_33 : memref<10112x128xf32, #tpu.memory_space<vmem_shared>>) offsets(%dma_start3A_30 : memref<125xi32, #tpu.memory_space<vmem>>) semaphore(%run_scoped3A : memref<!tpu.dma_semaphore, #tpu.memory_space<semaphore_mem>>) {add = true}
        %dma_wait3A_34 = arith.constant 0 : i32
        %dma_wait3A_35 = tpu.memref_slice %arg8[%scan3A_17, %dma_wait3A_34] : memref<80x125xi32, #tpu.memory_space<vmem>> -> memref<1x125xi32, #tpu.memory_space<vmem>>
        %dma_wait3A_36 = tpu.memref_squeeze %dma_wait3A_35 : memref<1x125xi32, #tpu.memory_space<vmem>> -> memref<125xi32, #tpu.memory_space<vmem>>
        %dma_wait3A_37 = arith.constant 0 : i32
        %dma_wait3A_38 = arith.constant 0 : i32
        %dma_wait3A_39 = tpu.memref_slice %arg10[%dma_wait3A_37, %dma_wait3A_38] : memref<10112x128xf32, #tpu.memory_space<vmem_shared>> -> memref<10112x128xf32, #tpu.memory_space<vmem_shared>>
        tpu.wait_indirect_dma semaphore(%run_scoped3A : memref<!tpu.dma_semaphore, #tpu.memory_space<semaphore_mem>>) src(%arg9 : memref<125x128xf32, #tpu.memory_space<vmem>>) dst(%dma_wait3A_39 : memref<10112x128xf32, #tpu.memory_space<vmem_shared>>)
        tpu.yield
      }) : () -> ()
    }
    %scan3A_11 = arith.constant 80 : i32
    %barrier3A_12 = arith.constant 0 : index
    tpu.barrier barrier_id(%barrier3A_12)
    %mul3A_13 = arith.constant 632 : i32
    %mul3A_14 = arith.muli %arg1, %mul3A_13 : i32
    %mul3A_15 = arith.constant 632 : i32
    %mul3A_16 = arith.muli %arg1, %mul3A_15 : i32
    "tpu.region"() ({
      %run_scoped3A = tpu.sem_alloc : memref<!tpu.dma_semaphore, #tpu.memory_space<semaphore_mem>>
      %dma_start3A = arith.constant 0 : i32
      %dma_start3A_17 = arith.constant 0 : i32
      %dma_start3A_18 = tpu.memref_slice %arg6[%arg0, %dma_start3A, %dma_start3A_17] : memref<2x10112x128xf32, #tpu.memory_space<hbm>> -> memref<1x10112x128xf32, #tpu.memory_space<hbm>>
      %dma_start3A_19 = tpu.memref_squeeze %dma_start3A_18 : memref<1x10112x128xf32, #tpu.memory_space<hbm>> -> memref<10112x128xf32, #tpu.memory_space<hbm>>
      %dma_start3A_20 = arith.constant 0 : i32
      %dma_start3A_21 = tpu.memref_slice %dma_start3A_19[%mul3A_16, %dma_start3A_20] : memref<10112x128xf32, #tpu.memory_space<hbm>> -> memref<632x128xf32, #tpu.memory_space<hbm>>
      %dma_start3A_22 = arith.constant 0 : i32
      %dma_start3A_23 = tpu.memref_slice %arg10[%mul3A_14, %dma_start3A_22] : memref<10112x128xf32, #tpu.memory_space<vmem_shared>> -> memref<632x128xf32, #tpu.memory_space<vmem_shared>>
      tpu.enqueue_dma source(%dma_start3A_23 : memref<632x128xf32, #tpu.memory_space<vmem_shared>>) target(%dma_start3A_21 : memref<632x128xf32, #tpu.memory_space<hbm>>) target_semaphore(%run_scoped3A : memref<!tpu.dma_semaphore, #tpu.memory_space<semaphore_mem>>)
      %dma_wait3A = arith.constant 0 : i32
      %dma_wait3A_24 = arith.constant 0 : i32
      %dma_wait3A_25 = tpu.memref_slice %arg6[%arg0, %dma_wait3A, %dma_wait3A_24] : memref<2x10112x128xf32, #tpu.memory_space<hbm>> -> memref<1x10112x128xf32, #tpu.memory_space<hbm>>
      %dma_wait3A_26 = tpu.memref_squeeze %dma_wait3A_25 : memref<1x10112x128xf32, #tpu.memory_space<hbm>> -> memref<10112x128xf32, #tpu.memory_space<hbm>>
      %dma_wait3A_27 = arith.constant 0 : i32
      %dma_wait3A_28 = tpu.memref_slice %dma_wait3A_26[%mul3A_16, %dma_wait3A_27] : memref<10112x128xf32, #tpu.memory_space<hbm>> -> memref<632x128xf32, #tpu.memory_space<hbm>>
      %dma_wait3A_29 = arith.constant 0 : i32
      %dma_wait3A_30 = tpu.memref_slice %arg10[%mul3A_14, %dma_wait3A_29] : memref<10112x128xf32, #tpu.memory_space<vmem_shared>> -> memref<632x128xf32, #tpu.memory_space<vmem_shared>>
      tpu.wait_dma2 semaphore(%run_scoped3A : memref<!tpu.dma_semaphore, #tpu.memory_space<semaphore_mem>>) src(%dma_wait3A_30 : memref<632x128xf32, #tpu.memory_space<vmem_shared>>) dst(%dma_wait3A_28 : memref<632x128xf32, #tpu.memory_space<hbm>>)
      tpu.yield
    }) : () -> ()
    return
  }
}

module attributes {stable_mosaic.version = 14 : i64} {
  func.func @body(%arg0: i32, %arg1: memref<5000x128xf32, #tpu.memory_space<vmem>>, %arg2: memref<128x128xf32, #tpu.memory_space<vmem>>, %arg3: memref<1x128xf32, #tpu.memory_space<vmem>>, %arg4: memref<2x5000x128xf32, #tpu.memory_space<vmem>>, %arg5: memref<128x128xf32, #tpu.memory_space<vmem>>, %arg6: memref<5000x128xf32, #tpu.memory_space<vmem>>, %arg7: memref<5000x1xf32, #tpu.memory_space<vmem>>) attributes {dimension_semantics = [#tpu.dimension_semantics<arbitrary>], iteration_bounds = array<i64: 2>, scalar_prefetch = 0 : i64, scratch_operands = 0 : i64, tpu.core_type = #tpu.core_type<tc>, window_params = [{transform_indices = @transform_0, window_bounds = array<i64: 5000, 128>}, {pipeline_mode = #tpu.pipeline_mode<synchronous>, transform_indices = @transform_1, window_bounds = array<i64: 128, 128>}, {pipeline_mode = #tpu.pipeline_mode<synchronous>, transform_indices = @transform_2, window_bounds = array<i64: 1, 128>}, {transform_indices = @transform_3, window_bounds = array<i64: 2, 5000, 128>}, {pipeline_mode = #tpu.pipeline_mode<synchronous>, transform_indices = @transform_4, window_bounds = array<i64: 128, 128>}, {transform_indices = @transform_5, window_bounds = array<i64: 5000, 128>}, {transform_indices = @transform_6, window_bounds = array<i64: 5000, 1>}]} {
    %get3A = arith.constant 0 : index
    %get3A_0 = arith.constant 0 : index
    %get3A_1 = arith.constant 0 : index
    %get3A_2 = vector.load %arg4[%get3A, %get3A_0, %get3A_1] : memref<2x5000x128xf32, #tpu.memory_space<vmem>>, vector<1x5000x1xf32>
    %get3A_3 = vector.shape_cast %get3A_2 : vector<1x5000x1xf32> to vector<5000xf32>
    %get3A_4 = arith.constant 1 : index
    %get3A_5 = arith.constant 0 : index
    %get3A_6 = arith.constant 0 : index
    %get3A_7 = vector.load %arg4[%get3A_4, %get3A_5, %get3A_6] : memref<2x5000x128xf32, #tpu.memory_space<vmem>>, vector<1x5000x1xf32>
    %get3A_8 = vector.shape_cast %get3A_7 : vector<1x5000x1xf32> to vector<5000xf32>
    %add3A = arith.addf %get3A_3, %get3A_8 : vector<5000xf32>
    %add3A_9 = arith.constant 1.000000e+00 : f32
    %add3A_10 = vector.broadcast %add3A_9 : f32 to vector<5000xf32>
    %add3A_11 = arith.addf %add3A_10, %add3A : vector<5000xf32>
    %rsqrt3A = math.rsqrt %add3A_11 : vector<5000xf32>
    %broadcast_in_dim3A = vector.shape_cast %rsqrt3A : vector<5000xf32> to vector<5000x1xf32>
    %get3A_12 = arith.constant 0 : index
    %get3A_13 = arith.constant 0 : index
    %get3A_14 = vector.load %arg1[%get3A_12, %get3A_13] : memref<5000x128xf32, #tpu.memory_space<vmem>>, vector<5000x128xf32>
    %get3A_15 = arith.constant 0 : index
    %get3A_16 = arith.constant 0 : index
    %get3A_17 = vector.load %arg2[%get3A_15, %get3A_16] : memref<128x128xf32, #tpu.memory_space<vmem>>, vector<128x128xf32>
    %dot_general3A = arith.constant dense<0.000000e+00> : vector<5000x128xf32>
    %dot_general3A_18 = tpu.matmul %get3A_14, %get3A_17, %dot_general3A {dimension_numbers = #tpu.dot_dimension_numbers<[1], [0], [0], [1], [0, 0, 1, 1], [], []>, transpose_lhs_hint = false} : vector<5000x128xf32>, vector<128x128xf32>, vector<5000x128xf32> -> vector<5000x128xf32>
    %get3A_19 = arith.constant 0 : index
    %get3A_20 = arith.constant 0 : index
    %get3A_21 = vector.load %arg3[%get3A_19, %get3A_20] : memref<1x128xf32, #tpu.memory_space<vmem>>, vector<1x128xf32>
    %add3A_22 = vector.broadcast %get3A_21 : vector<1x128xf32> to vector<5000x128xf32>
    %add3A_23 = arith.addf %dot_general3A_18, %add3A_22 : vector<5000x128xf32>
    %get3A_24 = arith.constant 0 : index
    %get3A_25 = arith.constant 0 : index
    %get3A_26 = vector.load %arg5[%get3A_24, %get3A_25] : memref<128x128xf32, #tpu.memory_space<vmem>>, vector<128x128xf32>
    %dot_general3A_27 = arith.constant dense<0.000000e+00> : vector<5000x128xf32>
    %dot_general3A_28 = tpu.matmul %add3A_23, %get3A_26, %dot_general3A_27 {dimension_numbers = #tpu.dot_dimension_numbers<[1], [0], [0], [1], [0, 0, 1, 1], [], []>, transpose_lhs_hint = false} : vector<5000x128xf32>, vector<128x128xf32>, vector<5000x128xf32> -> vector<5000x128xf32>
    %mul3A = vector.broadcast %broadcast_in_dim3A : vector<5000x1xf32> to vector<5000x128xf32>
    %mul3A_29 = arith.mulf %dot_general3A_28, %mul3A : vector<5000x128xf32>
    %swap3A = arith.constant 0 : index
    %swap3A_30 = arith.constant 0 : index
    %swap3A_31 = vector.load %arg6[%swap3A, %swap3A_30] : memref<5000x128xf32, #tpu.memory_space<vmem>>, vector<5000x128xf32>
    tpu.vector_store %arg6[%swap3A, %swap3A_30], %mul3A_29 {strides = array<i32>} : memref<5000x128xf32, #tpu.memory_space<vmem>>, vector<5000x128xf32>,
    %swap3A_32 = arith.constant 0 : index
    %swap3A_33 = arith.constant 0 : index
    %swap3A_34 = vector.load %arg7[%swap3A_32, %swap3A_33] : memref<5000x1xf32, #tpu.memory_space<vmem>>, vector<5000x1xf32>
    tpu.vector_store %arg7[%swap3A_32, %swap3A_33], %broadcast_in_dim3A {strides = array<i32>} : memref<5000x1xf32, #tpu.memory_space<vmem>>, vector<5000x1xf32>,
    return
  }
  func.func @transform_0(%arg0: i32) -> (i32, i32) {
    %c0_i32 = arith.constant 0 : i32
    %c0_i32_0 = arith.constant 0 : i32
    return %arg0, %c0_i32 : i32, i32
  }
  func.func @transform_1(%arg0: i32) -> (i32, i32) {
    %c0_i32 = arith.constant 0 : i32
    %c0_i32_0 = arith.constant 0 : i32
    %c0_i32_1 = arith.constant 0 : i32
    return %c0_i32, %c0_i32_0 : i32, i32
  }
  func.func @transform_2(%arg0: i32) -> (i32, i32) {
    %c0_i32 = arith.constant 0 : i32
    %c0_i32_0 = arith.constant 0 : i32
    %c0_i32_1 = arith.constant 0 : i32
    return %c0_i32, %c0_i32_0 : i32, i32
  }
  func.func @transform_3(%arg0: i32) -> (i32, i32, i32) {
    %c0_i32 = arith.constant 0 : i32
    %c0_i32_0 = arith.constant 0 : i32
    %c0_i32_1 = arith.constant 0 : i32
    return %c0_i32, %arg0, %c0_i32_0 : i32, i32, i32
  }
  func.func @transform_4(%arg0: i32) -> (i32, i32) {
    %c0_i32 = arith.constant 0 : i32
    %c0_i32_0 = arith.constant 0 : i32
    %c0_i32_1 = arith.constant 0 : i32
    return %c0_i32, %c0_i32_0 : i32, i32
  }
  func.func @transform_5(%arg0: i32) -> (i32, i32) {
    %c0_i32 = arith.constant 0 : i32
    %c0_i32_0 = arith.constant 0 : i32
    return %arg0, %c0_i32 : i32, i32
  }
  func.func @transform_6(%arg0: i32) -> (i32, i32) {
    %c0_i32 = arith.constant 0 : i32
    %c0_i32_0 = arith.constant 0 : i32
    return %arg0, %c0_i32 : i32, i32
  }
}

module attributes {stable_mosaic.version = 14 : i64} {
  func.func @body(%arg0: i32, %arg1: memref<2x5000x128xf32, #tpu.memory_space<vmem>>, %arg2: memref<5000x128xf32, #tpu.memory_space<vmem>>, %arg3: memref<5000x1xf32, #tpu.memory_space<vmem>>, %arg4: memref<1x128xf32, #tpu.memory_space<vmem>>, %arg5: memref<128x128xf32, #tpu.memory_space<vmem>>, %arg6: memref<5000x128xf32, #tpu.memory_space<vmem>>) attributes {dimension_semantics = [#tpu.dimension_semantics<arbitrary>], iteration_bounds = array<i64: 2>, scalar_prefetch = 0 : i64, scratch_operands = 0 : i64, tpu.core_type = #tpu.core_type<tc>, window_params = [{transform_indices = @transform_0, window_bounds = array<i64: 2, 5000, 128>}, {transform_indices = @transform_1, window_bounds = array<i64: 5000, 128>}, {transform_indices = @transform_2, window_bounds = array<i64: 5000, 1>}, {pipeline_mode = #tpu.pipeline_mode<synchronous>, transform_indices = @transform_3, window_bounds = array<i64: 1, 128>}, {pipeline_mode = #tpu.pipeline_mode<synchronous>, transform_indices = @transform_4, window_bounds = array<i64: 128, 128>}, {transform_indices = @transform_5, window_bounds = array<i64: 5000, 128>}]} {
    %get3A = arith.constant 0 : index
    %get3A_0 = arith.constant 0 : index
    %get3A_1 = arith.constant 0 : index
    %get3A_2 = vector.load %arg1[%get3A, %get3A_0, %get3A_1] : memref<2x5000x128xf32, #tpu.memory_space<vmem>>, vector<1x5000x128xf32>
    %get3A_3 = vector.shape_cast %get3A_2 : vector<1x5000x128xf32> to vector<5000x128xf32>
    %get3A_4 = arith.constant 1 : index
    %get3A_5 = arith.constant 0 : index
    %get3A_6 = arith.constant 0 : index
    %get3A_7 = vector.load %arg1[%get3A_4, %get3A_5, %get3A_6] : memref<2x5000x128xf32, #tpu.memory_space<vmem>>, vector<1x5000x128xf32>
    %get3A_8 = vector.shape_cast %get3A_7 : vector<1x5000x128xf32> to vector<5000x128xf32>
    %add3A = arith.addf %get3A_3, %get3A_8 : vector<5000x128xf32>
    %get3A_9 = arith.constant 0 : index
    %get3A_10 = arith.constant 0 : index
    %get3A_11 = vector.load %arg2[%get3A_9, %get3A_10] : memref<5000x128xf32, #tpu.memory_space<vmem>>, vector<5000x128xf32>
    %add3A_12 = arith.addf %add3A, %get3A_11 : vector<5000x128xf32>
    %get3A_13 = arith.constant 0 : index
    %get3A_14 = arith.constant 0 : index
    %get3A_15 = vector.load %arg3[%get3A_13, %get3A_14] : memref<5000x1xf32, #tpu.memory_space<vmem>>, vector<5000x1xf32>
    %mul3A = vector.broadcast %get3A_15 : vector<5000x1xf32> to vector<5000x128xf32>
    %mul3A_16 = arith.mulf %add3A_12, %mul3A : vector<5000x128xf32>
    %get3A_17 = arith.constant 0 : index
    %get3A_18 = arith.constant 0 : index
    %get3A_19 = vector.load %arg4[%get3A_17, %get3A_18] : memref<1x128xf32, #tpu.memory_space<vmem>>, vector<1x128xf32>
    %add3A_20 = vector.broadcast %get3A_19 : vector<1x128xf32> to vector<5000x128xf32>
    %add3A_21 = arith.addf %mul3A_16, %add3A_20 : vector<5000x128xf32>
    %max3A = arith.constant 0.000000e+00 : f32
    %max3A_22 = vector.broadcast %max3A : f32 to vector<5000x128xf32>
    %max3A_23 = arith.maximumf %add3A_21, %max3A_22 : vector<5000x128xf32>
    %get3A_24 = arith.constant 0 : index
    %get3A_25 = arith.constant 0 : index
    %get3A_26 = vector.load %arg5[%get3A_24, %get3A_25] : memref<128x128xf32, #tpu.memory_space<vmem>>, vector<128x128xf32>
    %dot_general3A = arith.constant dense<0.000000e+00> : vector<5000x128xf32>
    %dot_general3A_27 = tpu.matmul %max3A_23, %get3A_26, %dot_general3A {dimension_numbers = #tpu.dot_dimension_numbers<[1], [0], [0], [1], [0, 0, 1, 1], [], []>, transpose_lhs_hint = false} : vector<5000x128xf32>, vector<128x128xf32>, vector<5000x128xf32> -> vector<5000x128xf32>
    %get3A_28 = arith.constant 0 : index
    %get3A_29 = arith.constant 0 : index
    %get3A_30 = vector.load %arg3[%get3A_28, %get3A_29] : memref<5000x1xf32, #tpu.memory_space<vmem>>, vector<5000x1xf32>
    %mul3A_31 = vector.broadcast %get3A_30 : vector<5000x1xf32> to vector<5000x128xf32>
    %mul3A_32 = arith.mulf %dot_general3A_27, %mul3A_31 : vector<5000x128xf32>
    %swap3A = arith.constant 0 : index
    %swap3A_33 = arith.constant 0 : index
    %swap3A_34 = vector.load %arg6[%swap3A, %swap3A_33] : memref<5000x128xf32, #tpu.memory_space<vmem>>, vector<5000x128xf32>
    tpu.vector_store %arg6[%swap3A, %swap3A_33], %mul3A_32 {strides = array<i32>} : memref<5000x128xf32, #tpu.memory_space<vmem>>, vector<5000x128xf32>,
    return
  }
  func.func @transform_0(%arg0: i32) -> (i32, i32, i32) {
    %c0_i32 = arith.constant 0 : i32
    %c0_i32_0 = arith.constant 0 : i32
    %c0_i32_1 = arith.constant 0 : i32
    return %c0_i32, %arg0, %c0_i32_0 : i32, i32, i32
  }
  func.func @transform_1(%arg0: i32) -> (i32, i32) {
    %c0_i32 = arith.constant 0 : i32
    %c0_i32_0 = arith.constant 0 : i32
    return %arg0, %c0_i32 : i32, i32
  }
  func.func @transform_2(%arg0: i32) -> (i32, i32) {
    %c0_i32 = arith.constant 0 : i32
    %c0_i32_0 = arith.constant 0 : i32
    return %arg0, %c0_i32 : i32, i32
  }
  func.func @transform_3(%arg0: i32) -> (i32, i32) {
    %c0_i32 = arith.constant 0 : i32
    %c0_i32_0 = arith.constant 0 : i32
    %c0_i32_1 = arith.constant 0 : i32
    return %c0_i32, %c0_i32_0 : i32, i32
  }
  func.func @transform_4(%arg0: i32) -> (i32, i32) {
    %c0_i32 = arith.constant 0 : i32
    %c0_i32_0 = arith.constant 0 : i32
    %c0_i32_1 = arith.constant 0 : i32
    return %c0_i32, %c0_i32_0 : i32, i32
  }
  func.func @transform_5(%arg0: i32) -> (i32, i32) {
    %c0_i32 = arith.constant 0 : i32
    %c0_i32_0 = arith.constant 0 : i32
    return %arg0, %c0_i32 : i32, i32
  }
}

module attributes {stable_mosaic.version = 14 : i64} {
  func.func @body(%arg0: i32, %arg1: memref<2x5000x128xf32, #tpu.memory_space<vmem>>, %arg2: memref<5000x128xf32, #tpu.memory_space<vmem>>, %arg3: memref<5000x1xf32, #tpu.memory_space<vmem>>, %arg4: memref<1x128xf32, #tpu.memory_space<vmem>>, %arg5: memref<5000x1xi32, #tpu.memory_space<vmem>>, %arg6: memref<128x128xf32, #tpu.memory_space<vmem>>, %arg7: memref<1x128xf32, #tpu.memory_space<vmem>>, %arg8: memref<128x1xf32, #tpu.memory_space<vmem>>, %arg9: memref<1x1xf32, #tpu.memory_space<vmem>>, %arg10: memref<128x128xf32, #tpu.memory_space<vmem>>, %arg11: memref<1x128xf32, #tpu.memory_space<vmem>>, %arg12: memref<128x1xf32, #tpu.memory_space<vmem>>, %arg13: memref<1x1xf32, #tpu.memory_space<vmem>>, %arg14: memref<5000x1xf32, #tpu.memory_space<vmem>>, %arg15: memref<64x1xf32, #tpu.memory_space<vmem>>, %arg16: memref<64x128xf32, #tpu.memory_space<vmem>>, %arg17: memref<64x1xf32, #tpu.memory_space<vmem>>) attributes {dimension_semantics = [#tpu.dimension_semantics<arbitrary>], iteration_bounds = array<i64: 2>, scalar_prefetch = 0 : i64, scratch_operands = 0 : i64, tpu.core_type = #tpu.core_type<tc>, window_params = [{transform_indices = @transform_0, window_bounds = array<i64: 2, 5000, 128>}, {transform_indices = @transform_1, window_bounds = array<i64: 5000, 128>}, {transform_indices = @transform_2, window_bounds = array<i64: 5000, 1>}, {pipeline_mode = #tpu.pipeline_mode<synchronous>, transform_indices = @transform_3, window_bounds = array<i64: 1, 128>}, {transform_indices = @transform_4, window_bounds = array<i64: 5000, 1>}, {pipeline_mode = #tpu.pipeline_mode<synchronous>, transform_indices = @transform_5, window_bounds = array<i64: 128, 128>}, {pipeline_mode = #tpu.pipeline_mode<synchronous>, transform_indices = @transform_6, window_bounds = array<i64: 1, 128>}, {pipeline_mode = #tpu.pipeline_mode<synchronous>, transform_indices = @transform_7, window_bounds = array<i64: 128, 1>}, {pipeline_mode = #tpu.pipeline_mode<synchronous>, transform_indices = @transform_8, window_bounds = array<i64: 1, 1>}, {pipeline_mode = #tpu.pipeline_mode<synchronous>, transform_indices = @transform_9, window_bounds = array<i64: 128, 128>}, {pipeline_mode = #tpu.pipeline_mode<synchronous>, transform_indices = @transform_10, window_bounds = array<i64: 1, 128>}, {pipeline_mode = #tpu.pipeline_mode<synchronous>, transform_indices = @transform_11, window_bounds = array<i64: 128, 1>}, {pipeline_mode = #tpu.pipeline_mode<synchronous>, transform_indices = @transform_12, window_bounds = array<i64: 1, 1>}, {transform_indices = @transform_13, window_bounds = array<i64: 5000, 1>}, {pipeline_mode = #tpu.pipeline_mode<synchronous>, transform_indices = @transform_14, window_bounds = array<i64: 64, 1>}, {pipeline_mode = #tpu.pipeline_mode<synchronous>, transform_indices = @transform_15, window_bounds = array<i64: 64, 128>}, {pipeline_mode = #tpu.pipeline_mode<synchronous>, transform_indices = @transform_16, window_bounds = array<i64: 64, 1>}]} {
    %get3A = arith.constant 0 : index
    %get3A_0 = arith.constant 0 : index
    %get3A_1 = arith.constant 0 : index
    %get3A_2 = vector.load %arg1[%get3A, %get3A_0, %get3A_1] : memref<2x5000x128xf32, #tpu.memory_space<vmem>>, vector<1x5000x128xf32>
    %get3A_3 = vector.shape_cast %get3A_2 : vector<1x5000x128xf32> to vector<5000x128xf32>
    %get3A_4 = arith.constant 1 : index
    %get3A_5 = arith.constant 0 : index
    %get3A_6 = arith.constant 0 : index
    %get3A_7 = vector.load %arg1[%get3A_4, %get3A_5, %get3A_6] : memref<2x5000x128xf32, #tpu.memory_space<vmem>>, vector<1x5000x128xf32>
    %get3A_8 = vector.shape_cast %get3A_7 : vector<1x5000x128xf32> to vector<5000x128xf32>
    %add3A = arith.addf %get3A_3, %get3A_8 : vector<5000x128xf32>
    %get3A_9 = arith.constant 0 : index
    %get3A_10 = arith.constant 0 : index
    %get3A_11 = vector.load %arg2[%get3A_9, %get3A_10] : memref<5000x128xf32, #tpu.memory_space<vmem>>, vector<5000x128xf32>
    %add3A_12 = arith.addf %add3A, %get3A_11 : vector<5000x128xf32>
    %get3A_13 = arith.constant 0 : index
    %get3A_14 = arith.constant 0 : index
    %get3A_15 = vector.load %arg3[%get3A_13, %get3A_14] : memref<5000x1xf32, #tpu.memory_space<vmem>>, vector<5000x1xf32>
    %mul3A = vector.broadcast %get3A_15 : vector<5000x1xf32> to vector<5000x128xf32>
    %mul3A_16 = arith.mulf %add3A_12, %mul3A : vector<5000x128xf32>
    %get3A_17 = arith.constant 0 : index
    %get3A_18 = arith.constant 0 : index
    %get3A_19 = vector.load %arg4[%get3A_17, %get3A_18] : memref<1x128xf32, #tpu.memory_space<vmem>>, vector<1x128xf32>
    %add3A_20 = vector.broadcast %get3A_19 : vector<1x128xf32> to vector<5000x128xf32>
    %add3A_21 = arith.addf %mul3A_16, %add3A_20 : vector<5000x128xf32>
    %max3A = arith.constant 0.000000e+00 : f32
    %max3A_22 = vector.broadcast %max3A : f32 to vector<5000x128xf32>
    %max3A_23 = arith.maximumf %add3A_21, %max3A_22 : vector<5000x128xf32>
    %get3A_24 = arith.constant 0 : index
    %get3A_25 = arith.constant 0 : index
    %get3A_26 = vector.load %arg6[%get3A_24, %get3A_25] : memref<128x128xf32, #tpu.memory_space<vmem>>, vector<128x128xf32>
    %dot_general3A = arith.constant dense<0.000000e+00> : vector<5000x128xf32>
    %dot_general3A_27 = tpu.matmul %max3A_23, %get3A_26, %dot_general3A {dimension_numbers = #tpu.dot_dimension_numbers<[1], [0], [0], [1], [0, 0, 1, 1], [], []>, transpose_lhs_hint = false} : vector<5000x128xf32>, vector<128x128xf32>, vector<5000x128xf32> -> vector<5000x128xf32>
    %get3A_28 = arith.constant 0 : index
    %get3A_29 = arith.constant 0 : index
    %get3A_30 = vector.load %arg7[%get3A_28, %get3A_29] : memref<1x128xf32, #tpu.memory_space<vmem>>, vector<1x128xf32>
    %add3A_31 = vector.broadcast %get3A_30 : vector<1x128xf32> to vector<5000x128xf32>
    %add3A_32 = arith.addf %dot_general3A_27, %add3A_31 : vector<5000x128xf32>
    %max3A_33 = arith.constant 0.000000e+00 : f32
    %max3A_34 = vector.broadcast %max3A_33 : f32 to vector<5000x128xf32>
    %max3A_35 = arith.maximumf %add3A_32, %max3A_34 : vector<5000x128xf32>
    %get3A_36 = arith.constant 0 : index
    %get3A_37 = arith.constant 0 : index
    %get3A_38 = vector.load %arg8[%get3A_36, %get3A_37] : memref<128x1xf32, #tpu.memory_space<vmem>>, vector<128x1xf32>
    %dot_general3A_39 = arith.constant dense<0.000000e+00> : vector<5000x1xf32>
    %dot_general3A_40 = tpu.matmul %max3A_35, %get3A_38, %dot_general3A_39 {dimension_numbers = #tpu.dot_dimension_numbers<[1], [0], [0], [1], [0, 0, 1, 1], [], []>, transpose_lhs_hint = false} : vector<5000x128xf32>, vector<128x1xf32>, vector<5000x1xf32> -> vector<5000x1xf32>
    %get3A_41 = arith.constant 0 : index
    %get3A_42 = arith.constant 0 : index
    %get3A_43 = vector.load %arg9[%get3A_41, %get3A_42] : memref<1x1xf32, #tpu.memory_space<vmem>>, vector<1x1xf32>
    %add3A_44 = vector.broadcast %get3A_43 : vector<1x1xf32> to vector<5000x1xf32>
    %add3A_45 = arith.addf %dot_general3A_40, %add3A_44 : vector<5000x1xf32>
    %swap3A = arith.constant 0 : index
    %swap3A_46 = arith.constant 0 : index
    %swap3A_47 = vector.load %arg14[%swap3A, %swap3A_46] : memref<5000x1xf32, #tpu.memory_space<vmem>>, vector<5000x1xf32>
    tpu.vector_store %arg14[%swap3A, %swap3A_46], %add3A_45 {strides = array<i32>} : memref<5000x1xf32, #tpu.memory_space<vmem>>, vector<5000x1xf32>,
    %get3A_48 = arith.constant 0 : index
    %get3A_49 = arith.constant 0 : index
    %get3A_50 = vector.load %arg5[%get3A_48, %get3A_49] : memref<5000x1xi32, #tpu.memory_space<vmem>>, vector<5000x1xi32>
    %iota3A = tpu.iota {dimensions = array<i32: 1>} : vector<1x64xi32>
    %eq3A = vector.broadcast %get3A_50 : vector<5000x1xi32> to vector<5000x64xi32>
    %eq3A_51 = vector.broadcast %iota3A : vector<1x64xi32> to vector<5000x64xi32>
    %eq3A_52 = arith.cmpi eq, %eq3A, %eq3A_51 : vector<5000x64xi32>
    %convert_element_type3A = arith.extui %eq3A_52 : vector<5000x64xi1> to vector<5000x64xi32>
    %convert_element_type3A_53 = arith.sitofp %convert_element_type3A : vector<5000x64xi32> to vector<5000x64xf32>
    %dot_general3A_54 = arith.constant dense<0.000000e+00> : vector<64x128xf32>
    %dot_general3A_55 = tpu.matmul %convert_element_type3A_53, %max3A_23, %dot_general3A_54 {dimension_numbers = #tpu.dot_dimension_numbers<[0], [0], [1], [1], [0, 1, 1, 1], [], []>, transpose_lhs_hint = false} : vector<5000x64xf32>, vector<5000x128xf32>, vector<64x128xf32> -> vector<64x128xf32>
    %reduce_sum3A = arith.constant dense<0.000000e+00> : vector<64xf32>
    %reduce_sum3A_56 = vector.multi_reduction <add>, %convert_element_type3A_53, %reduce_sum3A [0] : vector<5000x64xf32> to vector<64xf32>
    %broadcast_in_dim3A = vector.shape_cast %reduce_sum3A_56 : vector<64xf32> to vector<64x1xf32>
    %eq3A_57 = arith.constant 0 : i32
    %eq3A_58 = arith.cmpi eq, %arg0, %eq3A_57 : i32
    %convert_element_type3A_59 = arith.extui %eq3A_58 : i1 to i32
    %cond3A = arith.constant 0 : i32
    %cond3A_60 = arith.cmpi ne, %convert_element_type3A_59, %cond3A : i32
    scf.if %cond3A_60 {
      %broadcast_in_dim3A_80 = arith.constant 0.000000e+00 : f32
      %broadcast_in_dim3A_81 = vector.broadcast %broadcast_in_dim3A_80 : f32 to vector<64x128xf32>
      %swap3A_82 = arith.constant 0 : index
      %swap3A_83 = arith.constant 0 : index
      %swap3A_84 = vector.load %arg16[%swap3A_82, %swap3A_83] : memref<64x128xf32, #tpu.memory_space<vmem>>, vector<64x128xf32>
      tpu.vector_store %arg16[%swap3A_82, %swap3A_83], %broadcast_in_dim3A_81 {strides = array<i32>} : memref<64x128xf32, #tpu.memory_space<vmem>>, vector<64x128xf32>,
      %broadcast_in_dim3A_85 = arith.constant 0.000000e+00 : f32
      %broadcast_in_dim3A_86 = vector.broadcast %broadcast_in_dim3A_85 : f32 to vector<64x1xf32>
      %swap3A_87 = arith.constant 0 : index
      %swap3A_88 = arith.constant 0 : index
      %swap3A_89 = vector.load %arg17[%swap3A_87, %swap3A_88] : memref<64x1xf32, #tpu.memory_space<vmem>>, vector<64x1xf32>
      tpu.vector_store %arg17[%swap3A_87, %swap3A_88], %broadcast_in_dim3A_86 {strides = array<i32>} : memref<64x1xf32, #tpu.memory_space<vmem>>, vector<64x1xf32>,
    } else {
    }
    %get3A_61 = arith.constant 0 : index
    %get3A_62 = arith.constant 0 : index
    %get3A_63 = vector.load %arg16[%get3A_61, %get3A_62] : memref<64x128xf32, #tpu.memory_space<vmem>>, vector<64x128xf32>
    %add3A_64 = arith.addf %get3A_63, %dot_general3A_55 : vector<64x128xf32>
    %swap3A_65 = arith.constant 0 : index
    %swap3A_66 = arith.constant 0 : index
    %swap3A_67 = vector.load %arg16[%swap3A_65, %swap3A_66] : memref<64x128xf32, #tpu.memory_space<vmem>>, vector<64x128xf32>
    tpu.vector_store %arg16[%swap3A_65, %swap3A_66], %add3A_64 {strides = array<i32>} : memref<64x128xf32, #tpu.memory_space<vmem>>, vector<64x128xf32>,
    %get3A_68 = arith.constant 0 : index
    %get3A_69 = arith.constant 0 : index
    %get3A_70 = vector.load %arg17[%get3A_68, %get3A_69] : memref<64x1xf32, #tpu.memory_space<vmem>>, vector<64x1xf32>
    %add3A_71 = arith.addf %get3A_70, %broadcast_in_dim3A : vector<64x1xf32>
    %swap3A_72 = arith.constant 0 : index
    %swap3A_73 = arith.constant 0 : index
    %swap3A_74 = vector.load %arg17[%swap3A_72, %swap3A_73] : memref<64x1xf32, #tpu.memory_space<vmem>>, vector<64x1xf32>
    tpu.vector_store %arg17[%swap3A_72, %swap3A_73], %add3A_71 {strides = array<i32>} : memref<64x1xf32, #tpu.memory_space<vmem>>, vector<64x1xf32>,
    %eq3A_75 = arith.constant 1 : i32
    %eq3A_76 = arith.cmpi eq, %arg0, %eq3A_75 : i32
    %convert_element_type3A_77 = arith.extui %eq3A_76 : i1 to i32
    %cond3A_78 = arith.constant 0 : i32
    %cond3A_79 = arith.cmpi ne, %convert_element_type3A_77, %cond3A_78 : i32
    scf.if %cond3A_79 {
      %get3A_80 = arith.constant 0 : index
      %get3A_81 = arith.constant 0 : index
      %get3A_82 = vector.load %arg16[%get3A_80, %get3A_81] : memref<64x128xf32, #tpu.memory_space<vmem>>, vector<64x128xf32>
      %get3A_83 = arith.constant 0 : index
      %get3A_84 = arith.constant 0 : index
      %get3A_85 = vector.load %arg17[%get3A_83, %get3A_84] : memref<64x1xf32, #tpu.memory_space<vmem>>, vector<64x1xf32>
      %max3A_86 = arith.constant 1.000000e+00 : f32
      %max3A_87 = vector.broadcast %max3A_86 : f32 to vector<64x1xf32>
      %max3A_88 = arith.maximumf %get3A_85, %max3A_87 : vector<64x1xf32>
      %div3A = vector.broadcast %max3A_88 : vector<64x1xf32> to vector<64x128xf32>
      %div3A_89 = arith.divf %get3A_82, %div3A : vector<64x128xf32>
      %get3A_90 = arith.constant 0 : index
      %get3A_91 = arith.constant 0 : index
      %get3A_92 = vector.load %arg10[%get3A_90, %get3A_91] : memref<128x128xf32, #tpu.memory_space<vmem>>, vector<128x128xf32>
      %dot_general3A_93 = arith.constant dense<0.000000e+00> : vector<64x128xf32>
      %dot_general3A_94 = tpu.matmul %div3A_89, %get3A_92, %dot_general3A_93 {dimension_numbers = #tpu.dot_dimension_numbers<[1], [0], [0], [1], [0, 0, 1, 1], [], []>, transpose_lhs_hint = false} : vector<64x128xf32>, vector<128x128xf32>, vector<64x128xf32> -> vector<64x128xf32>
      %get3A_95 = arith.constant 0 : index
      %get3A_96 = arith.constant 0 : index
      %get3A_97 = vector.load %arg11[%get3A_95, %get3A_96] : memref<1x128xf32, #tpu.memory_space<vmem>>, vector<1x128xf32>
      %add3A_98 = vector.broadcast %get3A_97 : vector<1x128xf32> to vector<64x128xf32>
      %add3A_99 = arith.addf %dot_general3A_94, %add3A_98 : vector<64x128xf32>
      %max3A_100 = arith.constant 0.000000e+00 : f32
      %max3A_101 = vector.broadcast %max3A_100 : f32 to vector<64x128xf32>
      %max3A_102 = arith.maximumf %add3A_99, %max3A_101 : vector<64x128xf32>
      %get3A_103 = arith.constant 0 : index
      %get3A_104 = arith.constant 0 : index
      %get3A_105 = vector.load %arg12[%get3A_103, %get3A_104] : memref<128x1xf32, #tpu.memory_space<vmem>>, vector<128x1xf32>
      %dot_general3A_106 = arith.constant dense<0.000000e+00> : vector<64x1xf32>
      %dot_general3A_107 = tpu.matmul %max3A_102, %get3A_105, %dot_general3A_106 {dimension_numbers = #tpu.dot_dimension_numbers<[1], [0], [0], [1], [0, 0, 1, 1], [], []>, transpose_lhs_hint = false} : vector<64x128xf32>, vector<128x1xf32>, vector<64x1xf32> -> vector<64x1xf32>
      %get3A_108 = arith.constant 0 : index
      %get3A_109 = arith.constant 0 : index
      %get3A_110 = vector.load %arg13[%get3A_108, %get3A_109] : memref<1x1xf32, #tpu.memory_space<vmem>>, vector<1x1xf32>
      %add3A_111 = vector.broadcast %get3A_110 : vector<1x1xf32> to vector<64x1xf32>
      %add3A_112 = arith.addf %dot_general3A_107, %add3A_111 : vector<64x1xf32>
      %tanh3A = math.tanh %add3A_112 : vector<64x1xf32>
      %swap3A_113 = arith.constant 0 : index
      %swap3A_114 = arith.constant 0 : index
      %swap3A_115 = vector.load %arg15[%swap3A_113, %swap3A_114] : memref<64x1xf32, #tpu.memory_space<vmem>>, vector<64x1xf32>
      tpu.vector_store %arg15[%swap3A_113, %swap3A_114], %tanh3A {strides = array<i32>} : memref<64x1xf32, #tpu.memory_space<vmem>>, vector<64x1xf32>,
    } else {
    }
    return
  }
  func.func @transform_0(%arg0: i32) -> (i32, i32, i32) {
    %c0_i32 = arith.constant 0 : i32
    %c0_i32_0 = arith.constant 0 : i32
    %c0_i32_1 = arith.constant 0 : i32
    return %c0_i32, %arg0, %c0_i32_0 : i32, i32, i32
  }
  func.func @transform_1(%arg0: i32) -> (i32, i32) {
    %c0_i32 = arith.constant 0 : i32
    %c0_i32_0 = arith.constant 0 : i32
    return %arg0, %c0_i32 : i32, i32
  }
  func.func @transform_2(%arg0: i32) -> (i32, i32) {
    %c0_i32 = arith.constant 0 : i32
    %c0_i32_0 = arith.constant 0 : i32
    return %arg0, %c0_i32 : i32, i32
  }
  func.func @transform_3(%arg0: i32) -> (i32, i32) {
    %c0_i32 = arith.constant 0 : i32
    %c0_i32_0 = arith.constant 0 : i32
    %c0_i32_1 = arith.constant 0 : i32
    return %c0_i32, %c0_i32_0 : i32, i32
  }
  func.func @transform_4(%arg0: i32) -> (i32, i32) {
    %c0_i32 = arith.constant 0 : i32
    %c0_i32_0 = arith.constant 0 : i32
    return %arg0, %c0_i32 : i32, i32
  }
  func.func @transform_5(%arg0: i32) -> (i32, i32) {
    %c0_i32 = arith.constant 0 : i32
    %c0_i32_0 = arith.constant 0 : i32
    %c0_i32_1 = arith.constant 0 : i32
    return %c0_i32, %c0_i32_0 : i32, i32
  }
  func.func @transform_6(%arg0: i32) -> (i32, i32) {
    %c0_i32 = arith.constant 0 : i32
    %c0_i32_0 = arith.constant 0 : i32
    %c0_i32_1 = arith.constant 0 : i32
    return %c0_i32, %c0_i32_0 : i32, i32
  }
  func.func @transform_7(%arg0: i32) -> (i32, i32) {
    %c0_i32 = arith.constant 0 : i32
    %c0_i32_0 = arith.constant 0 : i32
    %c0_i32_1 = arith.constant 0 : i32
    return %c0_i32, %c0_i32_0 : i32, i32
  }
  func.func @transform_8(%arg0: i32) -> (i32, i32) {
    %c0_i32 = arith.constant 0 : i32
    %c0_i32_0 = arith.constant 0 : i32
    %c0_i32_1 = arith.constant 0 : i32
    return %c0_i32, %c0_i32_0 : i32, i32
  }
  func.func @transform_9(%arg0: i32) -> (i32, i32) {
    %c0_i32 = arith.constant 0 : i32
    %c0_i32_0 = arith.constant 0 : i32
    %c0_i32_1 = arith.constant 0 : i32
    return %c0_i32, %c0_i32_0 : i32, i32
  }
  func.func @transform_10(%arg0: i32) -> (i32, i32) {
    %c0_i32 = arith.constant 0 : i32
    %c0_i32_0 = arith.constant 0 : i32
    %c0_i32_1 = arith.constant 0 : i32
    return %c0_i32, %c0_i32_0 : i32, i32
  }
  func.func @transform_11(%arg0: i32) -> (i32, i32) {
    %c0_i32 = arith.constant 0 : i32
    %c0_i32_0 = arith.constant 0 : i32
    %c0_i32_1 = arith.constant 0 : i32
    return %c0_i32, %c0_i32_0 : i32, i32
  }
  func.func @transform_12(%arg0: i32) -> (i32, i32) {
    %c0_i32 = arith.constant 0 : i32
    %c0_i32_0 = arith.constant 0 : i32
    %c0_i32_1 = arith.constant 0 : i32
    return %c0_i32, %c0_i32_0 : i32, i32
  }
  func.func @transform_13(%arg0: i32) -> (i32, i32) {
    %c0_i32 = arith.constant 0 : i32
    %c0_i32_0 = arith.constant 0 : i32
    return %arg0, %c0_i32 : i32, i32
  }
  func.func @transform_14(%arg0: i32) -> (i32, i32) {
    %c0_i32 = arith.constant 0 : i32
    %c0_i32_0 = arith.constant 0 : i32
    %c0_i32_1 = arith.constant 0 : i32
    return %c0_i32, %c0_i32_0 : i32, i32
  }
  func.func @transform_15(%arg0: i32) -> (i32, i32) {
    %c0_i32 = arith.constant 0 : i32
    %c0_i32_0 = arith.constant 0 : i32
    %c0_i32_1 = arith.constant 0 : i32
    return %c0_i32, %c0_i32_0 : i32, i32
  }
  func.func @transform_16(%arg0: i32) -> (i32, i32) {
    %c0_i32 = arith.constant 0 : i32
    %c0_i32_0 = arith.constant 0 : i32
    %c0_i32_1 = arith.constant 0 : i32
    return %c0_i32, %c0_i32_0 : i32, i32
  }
}

</mosaic_0001>

<sc_bundles>
// kernel: sc_degree.3.cloned.1.call-start
scs
__scs_entry_jumppad:
0x0: {  	(pc) =	sbr.rel $0x88, $3  }
0x1: {  	(tag) =	ssettag $0x0;
	lr =	simm.s32 $0x1  }
0x2: {  	[smem:$0x3F8E] =	sst lr;
	_ =	strace $0xD0000000  }
0x3: {  	_ = 	snop  }
0x4: {  	_ = 	snop  }
0x5: {  	_ = 	snop  }
0x6: {  	_ = 	snop  }
0x7: {  	_ = 	snop  }
__scs_overlays_trampoline_lowered:
0x8: {  	[smem:$0x3F9D] =	sst s0  }
0x9: {  	[smem:$0x3F9E] =	sst s1  }
0xa: {  	[smem:$0x3F9F] =	sst s2  }
0xb: {  	[smem:$0x3FA0] =	sst s3  }
0xc: {  	[smem:$0x3FA1] =	sst s4  }
0xd: {  	[smem:$0x3FA2] =	sst s5  }
0xe: {  	[smem:$0x3FA3] =	sst s6  }
0xf: {  	[smem:$0x3FA4] =	sst s7  }
0x10: {  	[smem:$0x3FA5] =	sst s8  }
0x11: {  	[smem:$0x3FA6] =	sst s9;
	s0 =	simm.s32 @!p0 $0x0  }
0x12: {  	s1 =	sld [smem:$0x3F8C];
	s0 =	simm.s32 @p0 $0x1  }
0x13: {  	[smem:$0x3FA7] =	sst s0;
	s0 =	simm.s32 @!p1 $0x0  }
0x14: {  	s2 =	sld [smem:$0x3F8B];
	s0 =	simm.s32 @p1 $0x1  }
0x15: {  	[smem:$0x3FA8] =	sst s0;
	s0 =	simm.s32 @!p2 $0x0  }
0x16: {  	s3 =	sld [smem:$0x3FDB];
	s0 =	simm.s32 @p2 $0x1  }
0x17: {  	s4 =	simm.s32 $0x1BF5;
	[smem:$0x3FAA] =	sst s0  }
0x18: {  	s0 =	sld [smem:$0x3F8D];
	_ =	swait.ge [sflag:s4], $0x0  }
0x19: {  	s7 =	sld [smem:$0x3F8E]  }
0x1a: {  	s8 =	sadd.s32 $0xFFFFE003, lr  }
0x1b: {  	s9 =	sadd.s32 $0xFFFFFEF7, lr;
	s5 =	simm.s32 $0xFFFFFFFF;
	p2 =	slt.u32 s8, $0xFFFFF086  }
0x1c: {  	p1 =	slt.u32 s9, $0xF7A;
	s5 =	simm.s32 @!p2 $0x0  }
0x1d: {  	s5 =	simm.s32 @p1 $0x1;
	p0 =	seq.s32 s7, s2  }
0x1e: {  	s7 =	smul.u32 @!p0 $0xF7A, s2;
	p2 =	seq.s32 @!p0 s5, $0x0  }
0x1f: {  	s9 =	smul.u32 $0xF7A, s1;
	s8 =	simm.s32 @!p0 $0x1BF5;
	p2 =	por !p2, p0  }
0x20: {  	[sflag:s8] =	ssyncset.s32 @!p0 $0xFFFFF086;
	s6 =	sadd.s32 @!p0 s3, s7;
	s7 =	simm.s32 @!p0 $0x108  }
0x21: {  	s3 =	sadd.s32 s3, s9;
	s6 =	sadd.s32 @!p0 $0x88, s6;
	s7 =	simm.s32 @p2 $0x1082  }
0x22: {  	[simem:s7], [sflag:s8] =	dma.local @!p0 [hbm:s6], $0xF7A  }
0x23: {  	s9 =	sor.u32 $0xD0000000, s2;
	s6 =	simm.s32 $0x108;
	_ =	swait.ge @!p0 [sflag:s8], $0x0  }
0x24: {  	s3 =	sadd.s32 $0x88, s3;
	s6 =	simm.s32 @!p1 $0x1082;
	[sflag:s4] =	ssyncset.s32 $0xFFFFF086  }
0x25: {  	[simem:s6], [sflag:s4] =	dma.local [hbm:s3], $0xF7A  }
0x26: {  	[smem:$0x3F8E] =	sst s1;
	(tag) =	ssettag s2;
	_ =	strace s9  }
0x27: {  	s1 =	sld [smem:$0x3F9E]  }
0x28: {  	s2 =	sld [smem:$0x3F9F]  }
0x29: {  	s4 =	sld [smem:$0x3FA1]  }
0x2a: {  	p0 =	seq.s32 s5, $0x0;
	s5 =	sld [smem:$0x3FA2]  }
0x2b: {  	s6 =	sld [smem:$0x3FA3]  }
0x2c: {  	s7 =	sld [smem:$0x3FA4]  }
0x2d: {  	s3 =	simm.s32 $0x108;
	s8 =	sld [smem:$0x3FA5]  }
0x2e: {  	s3 =	simm.s32 @!p0 $0x1082;
	s9 =	sld [smem:$0x3FA6]  }
0x2f: {  	lr =	sadd.s32 s0, s3;
	s0 =	sld [smem:$0x3F9D]  }
0x30: {  	s3 =	sld [smem:$0x3FA0]  }
0x31: {  	[smem:$0x3FA9] =	sst s10  }
0x32: {  	s10 =	sld [smem:$0x3FA7];
	_ =	sdelay $0x3  }
0x33: {  	p0 =	seq.s32 s10, $0x1;
	s10 =	sld [smem:$0x3FA9];
	_ =	sdelay $0x3  }
0x34: {  	[smem:$0x3FA9] =	sst s10  }
0x35: {  	s10 =	sld [smem:$0x3FA8];
	_ =	sdelay $0x3  }
0x36: {  	p1 =	seq.s32 s10, $0x1;
	s10 =	sld [smem:$0x3FA9];
	_ =	sdelay $0x3  }
0x37: {  	[smem:$0x3FA9] =	sst s10  }
0x38: {  	s10 =	sld [smem:$0x3FAA]  }
0x39: {  	_ = 	snop;
	(pc) =	sbr.ind lr, $3  }
0x3a: {  	_ = 	snop  }
0x3b: {  	_ = 	snop  }
0x3c: {  	p2 =	seq.s32 s10, $0x1;
	s10 =	sld [smem:$0x3FA9]  }
0x3d: {  	_ =	shalt  }
0x3e: {  	_ =	shalt  }
0x3f: {  	_ =	shalt  }
0x40: {  	_ =	shalt  }
0x41: {  	_ =	shalt  }
0x42: {  	_ =	shalt  }
0x43: {  	_ =	shalt  }
0x44: {  	_ =	shalt  }
0x45: {  	_ =	shalt  }
0x46: {  	_ =	shalt  }
0x47: {  	_ =	shalt  }
0x48: {  	_ =	shalt  }
0x49: {  	_ =	shalt  }
0x4a: {  	_ =	shalt  }
0x4b: {  	_ =	shalt  }
0x4c: {  	_ =	shalt  }
0x4d: {  	_ =	shalt  }
0x4e: {  	_ =	shalt  }
0x4f: {  	_ =	shalt  }
0x50: {  	_ =	shalt  }
0x51: {  	_ =	shalt  }
0x52: {  	_ =	shalt  }
0x53: {  	_ =	shalt  }
0x54: {  	_ =	shalt  }
0x55: {  	_ =	shalt  }
0x56: {  	_ =	shalt  }
0x57: {  	_ =	shalt  }
0x58: {  	_ =	shalt  }
0x59: {  	_ =	shalt  }
0x5a: {  	_ =	shalt  }
0x5b: {  	_ =	shalt  }
0x5c: {  	_ =	shalt  }
0x5d: {  	_ =	shalt  }
0x5e: {  	_ =	shalt  }
0x5f: {  	_ =	shalt  }
0x60: {  	_ =	shalt  }
0x61: {  	_ =	shalt  }
0x62: {  	_ =	shalt  }
0x63: {  	_ =	shalt  }
0x64: {  	_ =	shalt  }
0x65: {  	_ =	shalt  }
0x66: {  	_ =	shalt  }
0x67: {  	_ =	shalt  }
0x68: {  	_ =	shalt  }
0x69: {  	_ =	shalt  }
0x6a: {  	_ =	shalt  }
0x6b: {  	_ =	shalt  }
0x6c: {  	_ =	shalt  }
0x6d: {  	_ =	shalt  }
0x6e: {  	_ =	shalt  }
0x6f: {  	_ =	shalt  }
0x70: {  	_ =	shalt  }
0x71: {  	_ =	shalt  }
0x72: {  	_ =	shalt  }
0x73: {  	_ =	shalt  }
0x74: {  	_ =	shalt  }
0x75: {  	_ =	shalt  }
0x76: {  	_ =	shalt  }
0x77: {  	_ =	shalt  }
0x78: {  	_ =	shalt  }
0x79: {  	_ =	shalt  }
0x7a: {  	_ =	shalt  }
0x7b: {  	_ =	shalt  }
0x7c: {  	_ =	shalt  }
0x7d: {  	_ =	shalt  }
0x7e: {  	_ =	shalt  }
0x7f: {  	_ =	shalt  }
0x80: {  	_ =	shalt  }
0x81: {  	_ =	shalt  }
0x82: {  	_ =	shalt  }
0x83: {  	_ =	shalt  }
0x84: {  	_ =	shalt  }
0x85: {  	_ =	shalt  }
0x86: {  	_ =	shalt  }
0x87: {  	_ =	shalt  }
.Lfunc_end0:
.L_simem_size_0:
called_computation_lowered:
.L_overlay_start_0:
0x88: {  	s2 =	sld [smem:$0x3FD9]  }
0x89: {  	s3 =	sld [smem:$0x3FFE];
	_ =	sdelay $0x1  }
0x8a: {  	s1 =	srdreg.scid  }
0x8b: {  	s0 =	sand.u32 $0x1, s1  }
0x8c: {  	s16 =	sshll.u32 s0, $0xA;
	s2 =	sadd.s32 s3, s2  }
0x8d: {  	s2 =	sadd.s32 s2, s16  }
0x8e: {  	[smem:$0x3FB5] =	sst s2  }
0x8f: {  	_ = 	snop  }
0x90: {  	(tm) =	ssettm $0x1  }
0x91: {  	s17 =	sld [smem:$0x3FFB];
	_ =	sdelay $0x3  }
0x92: {  	_ =	strace s17  }
0x93: {  	s2 =	sld [smem:$0x3FFC];
	_ =	sdelay $0x3  }
0x94: {  	_ =	strace s2  }
0x95: {  	s2 =	sld [smem:$0x3FFD];
	_ =	sdelay $0x3  }
0x96: {  	_ =	strace s2  }
0x97: {  	_ =	strace $0x8FFFFFFF  }
0x98: {  	s18 =	sld [smem:$0x3FDB];
	_ =	sdelay $0x1  }
0x99: {  	s19 =	simm.s32 $_scs_section_size  }
0x9a: {  	s4 =	simm.s32 $_size__tile_overlayer_lowered;
	s5 =	simm.s32 $_tile_overlayer_lowered  }
0x9b: {  	s22 =	simm.s32 $0x1BFF;
	s21 =	sshll.u32 s5, $0x1;
	s2 =	sadd.s32 s19, s18  }
0x9c: {  	s6 =	simm.s32 $0x0;
	s20 =	sshll.u32 s4, $0x1;
	s4 =	sadd.s32 s21, s2  }
0x9d: {  	[timem:s6], [sflag:s22] =	dma.local [hbm:s4], s20  }
0x9e: {  	_ =	swait.ge [sflag:s22], s20  }
0x9f: {  	s3 =	ssub.s32 $0x0, s20;
	[sflag:s22] =	ssyncset.done $0x0  }
0xa0: {  	[sflag:s22] =	ssyncadd.s32 s3;
	_ =	sdelay $0x1  }
0xa1: {  	s23 =	simm.s32 $0x1B8B  }
0xa2: {  	_ =	swait.ge [sflag:s23], $0x1  }
0xa3: {  	[sflag:s23] =	ssyncset.done $0x0  }
0xa4: {  	s25 =	simm.s32 $0x1B8E;
	s24 =	sld [smem:$0x3FFE];
	[sflag:s23] =	ssyncadd.s32 $0xFFFFFFFF  }
0xa5: {  	s26 =	simm.s32 $execute0_lowered;
	[smem:$0x3FD2] =	sst s25  }
0xa6: {  	s4 =	sshll.u32 s26, $0x1;
	_ =	strace $0x80000046;
	[dreg:$0x1] =	wrdreg $0xFFFFFFFF  }
0xa7: {  	s28 =	simm.s32 $_size_execute0_lowered;
	s2 =	sadd.s32 s2, s4;
	[dreg:$0x0] =	wrdreg $0x0  }
0xa8: {  	s4 =	sshll.u32 s28, $0x1;
	[dreg:$0x2] =	wrdreg s2  }
0xa9: {  	[dreg:$0x3] =	wrdreg s4  }
0xaa: {  	[dreg:$0x4] =	wrdreg $0xC0  }
0xab: {  	_ =	task [dreg:s6], $0x5FFFF  }
0xac: {  	[dreg:$0x1] =	wrdreg $0xFFFFFFFF  }
0xad: {  	[dreg:$0x0] =	wrdreg $0x60  }
0xae: {  	[dreg:$0x2] =	wrdreg s24  }
0xaf: {  	[dreg:$0x3] =	wrdreg $0x68000  }
0xb0: {  	[dreg:$0x4] =	wrdreg $0x9  }
0xb1: {  	_ =	task.clear_ibuf [dreg:s6], $0x5FFFF;
	_ =	strace $0x90000046  }
0xb2: {  	s29 =	simm.s32 $0x9;
	_ =	strace $0x80000048  }
0xb3: {  	_ =	swait.ge [sflag:s29], $0x1  }
0xb4: {  	[sflag:s29] =	ssyncadd.s32 $0xFFFFFFFF  }
0xb5: {  	_ =	strace $0x90000048  }
0xb6: {  	_ =	sfence  }
0xb7: {  	s30 =	sld [smem:$0x0];
	_ =	sdelay $0x2  }
0xb8: {  	s31 =	sshll.u32 s1, $0xD;
	s1 =	sshrl.u32 s1, $0x2  }
0xb9: {  	s3 =	sand.u32 $0x4000, s31;
	s1 =	sadd.s32 s1, s30  }
0xba: {  	s0 =	sor.u32 s3, s0;
	s1 =	sshll.u32 s1, $0x11  }
0xbb: {  	s0 =	sor.u32 s1, s0  }
0xbc: {  	s0 =	sadd.s32 $0x8F2B, s0  }
0xbd: {  	[sflag:s0] =	ssyncadd.remote.s32 $0x1  }
0xbe: {  	_ =	sfence.sel $0xFFFF  }
0xbf: {  	[dreg:$0x0] =	wrdreg $0xFFFFFFFF;
	(pc) =	sbr.abs _section_cstart, $3  }
0xc0: {  	[dreg:$0x1] =	wrdreg $0xFFFFFFFF  }
0xc1: {  	_ =	task.clear_ibuf [dreg:s6], $0x2FFFF;
	_ =	strace $0x9FFFFFFF  }
0xc2: {  	(tm) =	ssettm $0x7FFFFFFF  }
0xc3: {  	_ =	shalt  }
tec
execute0_lowered:
.L_overlay_start_1:
0x0: {  	(tag) =	ssettag $0x1  }
0x1: {  	s0 =	srdreg.scid;
	s6 =	rddreg [dreg:$0x0]  }
0x2: {  	s2 =	rddreg [dreg:$0x1];
	s3 =	simm.s32 $0x0;
	s5 =	sand.u32 $0x1, s0  }
0x3: {  	s12 =	simm.s32 $0x7D;
	s0 =	stileid.u32;
	s8 =	smul.u32 $0x27800, s5  }
0x4: {  	[smem:$0x7FF] =	sst s3;
	s1 =	sshll.u32 s5, $0x4;
	s10 =	smul.u32 $0x4F000, s0  }
0x5: {  	s9 =	ssub.s32 $0x2, s5;
	s5 =	sadd.s32 $0x10600, s6;
	s14 =	smul.u32 $0x2780, s0  }
0x6: {  	s31 =	sshll.u32 s0, $0x6;
	s4 =	sor.u32 s0, s1;
	s1 =	rddreg [dreg:$0x2]  }
0x7: {  	_ =	strace $0x80000047;
	s29 =	sshrl.u32 s9, $0x1;
	s4 =	smul.u32 $0x500, s4  }
0x8: {  	s8 =	sadd.s32 s8, s6;
	s9 =	ssub.s32 s9, s29;
	s30 =	sshrl.u32 s10, $0x2  }
0x9: {  	s10 =	sor.u32 $0x1C01, s31;
	s11 =	sadd.s32 s30, s2;
	s13 =	sadd.s32 $0x10E00, s8  }
0xa: {  	s8 =	simm.s32 $0x1;
	s7 =	sadd.s32 s4, s6;
	s4 =	sadd.s32 $0xDE00, s6  }
0xb: {  	s11 =	sshrl.u32 s11, $0x3;
	s13 =	sadd.s32 s14, s13;
	s14 =	simm.s32 $0x0  }
0xc: {  	s6 =	sadd.s32 $0x3E00, s7;
	s7 =	smax.u32 s9, $0x1;
	s9 =	simm.s32 $0x2800  }
.LBB2_1:
0xd: {  	[tilespmem:s3], [sflag:$0x1] =	stream.linear.gather [hbm4b:s6+s3], $0x2800, $0x38;
	[tilespmem:$0x1A400] =	vst v63  }
0xe: {  	_ =	swait.ge [sflag:s8], $0x2800  }
0xf: {  	[sflag:s8] =	ssyncset.done $0x0  }
0x10: {  	[sflag:s8] =	ssyncadd.s32 $0xFFFFD800  }
0x11: {  	[tilespmem:s9], [sflag:$0x1] =	stream.linear.gather [hbm4b:s5+s3], $0x3E80, $0x38;
	[tilespmem:$0x1A400] =	vst v63  }
0x12: {  	_ =	swait.ge [sflag:s8], $0x3E80  }
0x13: {  	[sflag:s8] =	ssyncset.done $0x0  }
0x14: {  	[sflag:s8] =	ssyncadd.s32 $0xFFFFC180  }
0x15: {  	[spmem:s11], [sflag:s10] =	dma.local [hbm:s4], $0x2780  }
0x16: {  	_ =	swait.ge [sflag:s8], $0x2780  }
0x17: {  	[sflag:s8] =	ssyncset.done $0x0  }
0x18: {  	[sflag:s8] =	ssyncadd.s32 $0xFFFFD880  }
0x19: {  	s15 =	simm.s32 $0x0;
	[bflag:$0x0] =	sbarrier.arrive $0xFFFF  }
0x1a: {  	[spmem:s2] =	stream.indirect.scatter.add.f32 [tilespmem:s9], [sflag:$0x1], $0x80, s15, s12, $0xb8;
	[tilespmem:$0x1A400] =	vst v63  }
0x1b: {  	_ =	swait.ge [sflag:s8], $0x3E80  }
0x1c: {  	s15 =	simm.s32 $0x200;
	[sflag:s8] =	ssyncset.done $0x0  }
.LBB2_2:
0x1d: {  	s16 =	sshra.s32 s15, $0x2;
	[sflag:s8] =	ssyncadd.s32 $0xFFFFC180;
	p0 =	sne.s32 s15, $0x9E00  }
0x1e: {  	[spmem:s2] =	stream.indirect.scatter.add.f32 [tilespmem:s9], [sflag:$0x1], $0x80, s16, s12, $0xb8;
	[tilespmem:$0x1A400] =	vst v63  }
.Ltmp0:
0x1f: {  	_ = 	snop;
	(pc) =	sbr.rel @p0 .LBB2_2-.Ltmp0, $4  }
0x20: {  	_ = 	snop  }
0x21: {  	s15 =	sadd.s32 $0x200, s15  }
0x22: {  	_ =	swait.ge [sflag:s8], $0x3E80  }
0x23: {  	[sflag:s8] =	ssyncset.done $0x0  }
0x24: {  	s14 =	sadd.s32 $0x1, s14  }
0x25: {  	[sflag:s8] =	ssyncadd.s32 $0xFFFFC180;
	p0 =	sne.s32 s14, s7  }
.Ltmp1:
0x26: {  	[bflag:$0x0] =	sbarrier.arrive $0xFFFF;
	(pc) =	sbr.rel @p0 .LBB2_1-.Ltmp1, $4  }
0x27: {  	[hbm:s13], [sflag:s10] =	dma.local [spmem:s11], $0x2780  }
0x28: {  	_ =	swait.ge [sflag:s8], $0x2780  }
0x29: {  	[sflag:s8] =	ssyncset.done $0x0  }
0x2a: {  	[sflag:s8] =	ssyncadd.s32 $0xFFFFD880  }
0x2b: {  	_ =	sfence.sel $0x180000  }
0x2c: {  	[bflag:$0x0] =	sbarrier.arrive $0xFFFF  }
0x2d: {  	p0 =	sne.s32 s0, $0x0;
	_ =	strace $0x90000047  }
0x2e: {  	s0 =	sadd.s32 @!p0 $0x100000, s1;
	[bflag:$0x2] =	sbarrier.arrive $0xFFFF  }
0x2f: {  	[sflag:s0] =	ssyncadd.tile.s32 @!p0 $0x1;
	_ =	shalt  }
.Lfunc_end2:
_tile_overlayer_lowered:
.L_overlay_start_2:
0x30: {  	(tag) =	ssettag $0x2  }
0x31: {  	s0 =	rddreg [dreg:$0x0];
	s2 =	stileid.u32  }
0x32: {  	s1 =	rddreg [dreg:$0x1];
	p0 =	sne.s32 s2, $0x0  }
0x33: {  	s3 =	rddreg [dreg:$0x2];
	[bflag:$0x3] =	sbarrier.arrive $0xFFFF;
	s2 =	simm.s32 @!p0 $0x1C01  }
0x34: {  	[timem:s3], [sflag:s2] =	dma.local @!p0 [hbm:s0], s1  }
0x35: {  	s0 =	simm.s32 @!p0 $0x1  }
0x36: {  	_ =	swait.ge @!p0 [sflag:s0], s1  }
0x37: {  	s1 =	ssub.s32 @!p0 $0x0, s1;
	[sflag:s0] =	ssyncset.done @!p0 $0x0  }
0x38: {  	[sflag:s0] =	ssyncadd.s32 @!p0 s1  }
0x39: {  	[bflag:$0x3] =	sbarrier.arrive $0xFFFF  }
0x3a: {  	_ =	shalt  }

// kernel: sc_scatter.11.cloned.1.call-start
scs
__scs_entry_jumppad:
0x0: {  	(pc) =	sbr.rel $0x88, $3  }
0x1: {  	(tag) =	ssettag $0x0;
	lr =	simm.s32 $0x1  }
0x2: {  	[smem:$0x3F8E] =	sst lr;
	_ =	strace $0xD0000000  }
0x3: {  	_ = 	snop  }
0x4: {  	_ = 	snop  }
0x5: {  	_ = 	snop  }
0x6: {  	_ = 	snop  }
0x7: {  	_ = 	snop  }
__scs_overlays_trampoline_lowered:
0x8: {  	[smem:$0x3F9D] =	sst s0  }
0x9: {  	[smem:$0x3F9E] =	sst s1  }
0xa: {  	[smem:$0x3F9F] =	sst s2  }
0xb: {  	[smem:$0x3FA0] =	sst s3  }
0xc: {  	[smem:$0x3FA1] =	sst s4  }
0xd: {  	[smem:$0x3FA2] =	sst s5  }
0xe: {  	[smem:$0x3FA3] =	sst s6  }
0xf: {  	[smem:$0x3FA4] =	sst s7  }
0x10: {  	[smem:$0x3FA5] =	sst s8  }
0x11: {  	[smem:$0x3FA6] =	sst s9;
	s0 =	simm.s32 @!p0 $0x0  }
0x12: {  	s1 =	sld [smem:$0x3F8C];
	s0 =	simm.s32 @p0 $0x1  }
0x13: {  	[smem:$0x3FA7] =	sst s0;
	s0 =	simm.s32 @!p1 $0x0  }
0x14: {  	s2 =	sld [smem:$0x3F8B];
	s0 =	simm.s32 @p1 $0x1  }
0x15: {  	[smem:$0x3FA8] =	sst s0;
	s0 =	simm.s32 @!p2 $0x0  }
0x16: {  	s3 =	sld [smem:$0x3FDB];
	s0 =	simm.s32 @p2 $0x1  }
0x17: {  	s4 =	simm.s32 $0x1BF5;
	[smem:$0x3FAA] =	sst s0  }
0x18: {  	s0 =	sld [smem:$0x3F8D];
	_ =	swait.ge [sflag:s4], $0x0  }
0x19: {  	s7 =	sld [smem:$0x3F8E]  }
0x1a: {  	s8 =	sadd.s32 $0xFFFFE003, lr  }
0x1b: {  	s9 =	sadd.s32 $0xFFFFFEF7, lr;
	s5 =	simm.s32 $0xFFFFFFFF;
	p2 =	slt.u32 s8, $0xFFFFF086  }
0x1c: {  	p1 =	slt.u32 s9, $0xF7A;
	s5 =	simm.s32 @!p2 $0x0  }
0x1d: {  	s5 =	simm.s32 @p1 $0x1;
	p0 =	seq.s32 s7, s2  }
0x1e: {  	s7 =	smul.u32 @!p0 $0xF7A, s2;
	p2 =	seq.s32 @!p0 s5, $0x0  }
0x1f: {  	s9 =	smul.u32 $0xF7A, s1;
	s8 =	simm.s32 @!p0 $0x1BF5;
	p2 =	por !p2, p0  }
0x20: {  	[sflag:s8] =	ssyncset.s32 @!p0 $0xFFFFF086;
	s6 =	sadd.s32 @!p0 s3, s7;
	s7 =	simm.s32 @!p0 $0x108  }
0x21: {  	s3 =	sadd.s32 s3, s9;
	s6 =	sadd.s32 @!p0 $0x88, s6;
	s7 =	simm.s32 @p2 $0x1082  }
0x22: {  	[simem:s7], [sflag:s8] =	dma.local @!p0 [hbm:s6], $0xF7A  }
0x23: {  	s9 =	sor.u32 $0xD0000000, s2;
	s6 =	simm.s32 $0x108;
	_ =	swait.ge @!p0 [sflag:s8], $0x0  }
0x24: {  	s3 =	sadd.s32 $0x88, s3;
	s6 =	simm.s32 @!p1 $0x1082;
	[sflag:s4] =	ssyncset.s32 $0xFFFFF086  }
0x25: {  	[simem:s6], [sflag:s4] =	dma.local [hbm:s3], $0xF7A  }
0x26: {  	[smem:$0x3F8E] =	sst s1;
	(tag) =	ssettag s2;
	_ =	strace s9  }
0x27: {  	s1 =	sld [smem:$0x3F9E]  }
0x28: {  	s2 =	sld [smem:$0x3F9F]  }
0x29: {  	s4 =	sld [smem:$0x3FA1]  }
0x2a: {  	p0 =	seq.s32 s5, $0x0;
	s5 =	sld [smem:$0x3FA2]  }
0x2b: {  	s6 =	sld [smem:$0x3FA3]  }
0x2c: {  	s7 =	sld [smem:$0x3FA4]  }
0x2d: {  	s3 =	simm.s32 $0x108;
	s8 =	sld [smem:$0x3FA5]  }
0x2e: {  	s3 =	simm.s32 @!p0 $0x1082;
	s9 =	sld [smem:$0x3FA6]  }
0x2f: {  	lr =	sadd.s32 s0, s3;
	s0 =	sld [smem:$0x3F9D]  }
0x30: {  	s3 =	sld [smem:$0x3FA0]  }
0x31: {  	[smem:$0x3FA9] =	sst s10  }
0x32: {  	s10 =	sld [smem:$0x3FA7];
	_ =	sdelay $0x3  }
0x33: {  	p0 =	seq.s32 s10, $0x1;
	s10 =	sld [smem:$0x3FA9];
	_ =	sdelay $0x3  }
0x34: {  	[smem:$0x3FA9] =	sst s10  }
0x35: {  	s10 =	sld [smem:$0x3FA8];
	_ =	sdelay $0x3  }
0x36: {  	p1 =	seq.s32 s10, $0x1;
	s10 =	sld [smem:$0x3FA9];
	_ =	sdelay $0x3  }
0x37: {  	[smem:$0x3FA9] =	sst s10  }
0x38: {  	s10 =	sld [smem:$0x3FAA]  }
0x39: {  	_ = 	snop;
	(pc) =	sbr.ind lr, $3  }
0x3a: {  	_ = 	snop  }
0x3b: {  	_ = 	snop  }
0x3c: {  	p2 =	seq.s32 s10, $0x1;
	s10 =	sld [smem:$0x3FA9]  }
0x3d: {  	_ =	shalt  }
0x3e: {  	_ =	shalt  }
0x3f: {  	_ =	shalt  }
0x40: {  	_ =	shalt  }
0x41: {  	_ =	shalt  }
0x42: {  	_ =	shalt  }
0x43: {  	_ =	shalt  }
0x44: {  	_ =	shalt  }
0x45: {  	_ =	shalt  }
0x46: {  	_ =	shalt  }
0x47: {  	_ =	shalt  }
0x48: {  	_ =	shalt  }
0x49: {  	_ =	shalt  }
0x4a: {  	_ =	shalt  }
0x4b: {  	_ =	shalt  }
0x4c: {  	_ =	shalt  }
0x4d: {  	_ =	shalt  }
0x4e: {  	_ =	shalt  }
0x4f: {  	_ =	shalt  }
0x50: {  	_ =	shalt  }
0x51: {  	_ =	shalt  }
0x52: {  	_ =	shalt  }
0x53: {  	_ =	shalt  }
0x54: {  	_ =	shalt  }
0x55: {  	_ =	shalt  }
0x56: {  	_ =	shalt  }
0x57: {  	_ =	shalt  }
0x58: {  	_ =	shalt  }
0x59: {  	_ =	shalt  }
0x5a: {  	_ =	shalt  }
0x5b: {  	_ =	shalt  }
0x5c: {  	_ =	shalt  }
0x5d: {  	_ =	shalt  }
0x5e: {  	_ =	shalt  }
0x5f: {  	_ =	shalt  }
0x60: {  	_ =	shalt  }
0x61: {  	_ =	shalt  }
0x62: {  	_ =	shalt  }
0x63: {  	_ =	shalt  }
0x64: {  	_ =	shalt  }
0x65: {  	_ =	shalt  }
0x66: {  	_ =	shalt  }
0x67: {  	_ =	shalt  }
0x68: {  	_ =	shalt  }
0x69: {  	_ =	shalt  }
0x6a: {  	_ =	shalt  }
0x6b: {  	_ =	shalt  }
0x6c: {  	_ =	shalt  }
0x6d: {  	_ =	shalt  }
0x6e: {  	_ =	shalt  }
0x6f: {  	_ =	shalt  }
0x70: {  	_ =	shalt  }
0x71: {  	_ =	shalt  }
0x72: {  	_ =	shalt  }
0x73: {  	_ =	shalt  }
0x74: {  	_ =	shalt  }
0x75: {  	_ =	shalt  }
0x76: {  	_ =	shalt  }
0x77: {  	_ =	shalt  }
0x78: {  	_ =	shalt  }
0x79: {  	_ =	shalt  }
0x7a: {  	_ =	shalt  }
0x7b: {  	_ =	shalt  }
0x7c: {  	_ =	shalt  }
0x7d: {  	_ =	shalt  }
0x7e: {  	_ =	shalt  }
0x7f: {  	_ =	shalt  }
0x80: {  	_ =	shalt  }
0x81: {  	_ =	shalt  }
0x82: {  	_ =	shalt  }
0x83: {  	_ =	shalt  }
0x84: {  	_ =	shalt  }
0x85: {  	_ =	shalt  }
0x86: {  	_ =	shalt  }
0x87: {  	_ =	shalt  }
.Lfunc_end0:
.L_simem_size_0:
called_computation.3_lowered:
.L_overlay_start_0:
0x88: {  	s2 =	sld [smem:$0x3FD9]  }
0x89: {  	s3 =	sld [smem:$0x3FFE];
	_ =	sdelay $0x1  }
0x8a: {  	s1 =	srdreg.scid  }
0x8b: {  	s0 =	sand.u32 $0x1, s1  }
0x8c: {  	s16 =	sshll.u32 s0, $0xA;
	s2 =	sadd.s32 s3, s2  }
0x8d: {  	s2 =	sadd.s32 s2, s16  }
0x8e: {  	[smem:$0x3FB5] =	sst s2  }
0x8f: {  	_ = 	snop  }
0x90: {  	(tm) =	ssettm $0x1  }
0x91: {  	s17 =	sld [smem:$0x3FFB];
	_ =	sdelay $0x3  }
0x92: {  	_ =	strace s17  }
0x93: {  	s2 =	sld [smem:$0x3FFC];
	_ =	sdelay $0x3  }
0x94: {  	_ =	strace s2  }
0x95: {  	s2 =	sld [smem:$0x3FFD];
	_ =	sdelay $0x3  }
0x96: {  	_ =	strace s2  }
0x97: {  	_ =	strace $0x8FFFFFFF  }
0x98: {  	s18 =	sld [smem:$0x3FDB];
	_ =	sdelay $0x1  }
0x99: {  	s19 =	simm.s32 $_scs_section_size  }
0x9a: {  	s4 =	simm.s32 $_size__tile_overlayer_lowered;
	s5 =	simm.s32 $_tile_overlayer_lowered  }
0x9b: {  	s22 =	simm.s32 $0x1BFF;
	s21 =	sshll.u32 s5, $0x1;
	s2 =	sadd.s32 s19, s18  }
0x9c: {  	s6 =	simm.s32 $0x0;
	s20 =	sshll.u32 s4, $0x1;
	s4 =	sadd.s32 s21, s2  }
0x9d: {  	[timem:s6], [sflag:s22] =	dma.local [hbm:s4], s20  }
0x9e: {  	_ =	swait.ge [sflag:s22], s20  }
0x9f: {  	s3 =	ssub.s32 $0x0, s20;
	[sflag:s22] =	ssyncset.done $0x0  }
0xa0: {  	[sflag:s22] =	ssyncadd.s32 s3;
	_ =	sdelay $0x1  }
0xa1: {  	s23 =	simm.s32 $0x1B8B  }
0xa2: {  	_ =	swait.ge [sflag:s23], $0x1  }
0xa3: {  	[sflag:s23] =	ssyncset.done $0x0  }
0xa4: {  	s25 =	simm.s32 $0x1B8E;
	s24 =	sld [smem:$0x3FFE];
	[sflag:s23] =	ssyncadd.s32 $0xFFFFFFFF  }
0xa5: {  	s26 =	simm.s32 $execute0_lowered;
	[smem:$0x3FD2] =	sst s25  }
0xa6: {  	s4 =	sshll.u32 s26, $0x1;
	_ =	strace $0x8000004F;
	[dreg:$0x1] =	wrdreg $0xFFFFFFFF  }
0xa7: {  	s28 =	simm.s32 $_size_execute0_lowered;
	s2 =	sadd.s32 s2, s4;
	[dreg:$0x0] =	wrdreg $0x0  }
0xa8: {  	s4 =	sshll.u32 s28, $0x1;
	[dreg:$0x2] =	wrdreg s2  }
0xa9: {  	[dreg:$0x3] =	wrdreg s4  }
0xaa: {  	[dreg:$0x4] =	wrdreg $0xC0  }
0xab: {  	_ =	task [dreg:s6], $0x5FFFF  }
0xac: {  	[dreg:$0x1] =	wrdreg $0xFFFFFFFF  }
0xad: {  	[dreg:$0x0] =	wrdreg $0x60  }
0xae: {  	[dreg:$0x2] =	wrdreg s24  }
0xaf: {  	[dreg:$0x3] =	wrdreg $0x90000  }
0xb0: {  	[dreg:$0x4] =	wrdreg $0x9  }
0xb1: {  	_ =	task.clear_ibuf [dreg:s6], $0x5FFFF;
	_ =	strace $0x9000004F  }
0xb2: {  	s29 =	simm.s32 $0x9;
	_ =	strace $0x80000051  }
0xb3: {  	_ =	swait.ge [sflag:s29], $0x1  }
0xb4: {  	[sflag:s29] =	ssyncadd.s32 $0xFFFFFFFF  }
0xb5: {  	_ =	strace $0x90000051  }
0xb6: {  	_ =	sfence  }
0xb7: {  	s30 =	sld [smem:$0x0];
	_ =	sdelay $0x2  }
0xb8: {  	s31 =	sshll.u32 s1, $0xD;
	s1 =	sshrl.u32 s1, $0x2  }
0xb9: {  	s3 =	sand.u32 $0x4000, s31;
	s1 =	sadd.s32 s1, s30  }
0xba: {  	s0 =	sor.u32 s3, s0;
	s1 =	sshll.u32 s1, $0x11  }
0xbb: {  	s0 =	sor.u32 s1, s0  }
0xbc: {  	s0 =	sadd.s32 $0x8F2B, s0  }
0xbd: {  	[sflag:s0] =	ssyncadd.remote.s32 $0x1  }
0xbe: {  	_ =	sfence.sel $0xFFFF  }
0xbf: {  	[dreg:$0x0] =	wrdreg $0xFFFFFFFF;
	(pc) =	sbr.abs _section_cstart, $3  }
0xc0: {  	[dreg:$0x1] =	wrdreg $0xFFFFFFFF  }
0xc1: {  	_ =	task.clear_ibuf [dreg:s6], $0x2FFFF;
	_ =	strace $0x9FFFFFFF  }
0xc2: {  	(tm) =	ssettm $0x7FFFFFFF  }
0xc3: {  	_ =	shalt  }
tec
execute0_lowered:
.L_overlay_start_1:
0x0: {  	(tag) =	ssettag $0x1  }
0x1: {  	s0 =	srdreg.scid;
	s6 =	rddreg [dreg:$0x0]  }
0x2: {  	s2 =	rddreg [dreg:$0x1];
	s1 =	stileid.u32;
	s3 =	simm.s32 $0x0  }
0x3: {  	s13 =	simm.s32 $0x7D;
	s14 =	simm.s32 $0x5000;
	s15 =	simm.s32 $0x1  }
0x4: {  	s5 =	sand.u32 $0x1, s0;
	s0 =	rddreg [dreg:$0x2];
	s10 =	smul.u32 $0x4F000, s1  }
0x5: {  	[smem:$0x7FF] =	sst s3;
	s17 =	smul.u32 $0x2780, s1;
	s11 =	sshll.u32 s1, $0x6  }
0x6: {  	s4 =	sshll.u32 s5, $0x4;
	_ =	strace $0x80000050;
	s8 =	smul.u32 $0x27800, s5  }
0x7: {  	s9 =	ssub.s32 $0x2, s5;
	s5 =	sadd.s32 $0xDE00, s6;
	s11 =	sor.u32 $0x1C02, s11  }
0x8: {  	s4 =	sor.u32 s1, s4;
	s31 =	sshrl.u32 s9, $0x1;
	s10 =	sshrl.u32 s10, $0x2  }
0x9: {  	s7 =	smul.u32 $0x500, s4;
	s4 =	sadd.s32 $0x10600, s6;
	s8 =	sadd.s32 s8, s6  }
0xa: {  	s9 =	ssub.s32 s9, s31;
	s12 =	sadd.s32 s10, s2;
	s10 =	simm.s32 $0x2800  }
0xb: {  	s16 =	sadd.s32 $0x69E00, s8;
	s8 =	smax.u32 s9, $0x1;
	s9 =	simm.s32 $0x2  }
0xc: {  	s12 =	sshrl.u32 s12, $0x3;
	s7 =	sadd.s32 s7, s6;
	s16 =	sadd.s32 s17, s16  }
0xd: {  	s17 =	simm.s32 $0x0;
	s6 =	sadd.s32 $0x5FE00, s7;
	s7 =	sadd.s32 $0x3E00, s7  }
.LBB2_1:
0xe: {  	[tilespmem:s3], [sflag:$0x2] =	stream.linear.gather [hbm4b:s6+s3], $0x2800, $0x38;
	[tilespmem:$0x1CC00] =	vst v63  }
0xf: {  	_ =	swait.ge [sflag:s9], $0x2800  }
0x10: {  	[sflag:s9] =	ssyncset.done $0x0  }
0x11: {  	[sflag:s9] =	ssyncadd.s32 $0xFFFFD800  }
0x12: {  	[tilespmem:s10], [sflag:$0x2] =	stream.linear.gather [hbm4b:s7+s3], $0x2800, $0x38;
	[tilespmem:$0x1CC00] =	vst v63  }
0x13: {  	_ =	swait.ge [sflag:s9], $0x2800  }
0x14: {  	[sflag:s9] =	ssyncset.done $0x0  }
0x15: {  	[sflag:s9] =	ssyncadd.s32 $0xFFFFD800  }
0x16: {  	[spmem:s12], [sflag:s11] =	dma.local [hbm:s5], $0x2780  }
0x17: {  	_ =	swait.ge [sflag:s9], $0x2780  }
0x18: {  	[sflag:s9] =	ssyncset.done $0x0  }
0x19: {  	[sflag:s9] =	ssyncadd.s32 $0xFFFFD880  }
0x1a: {  	s18 =	simm.s32 $0x0;
	[bflag:$0x0] =	sbarrier.arrive $0xFFFF  }
0x1b: {  	[tilespmem:s14], [sflag:$0x1] =	stream.indirect.gather [hbm4b:s4+s13], $0x80, s18, s13, $0xb8;
	[tilespmem:$0x1CC00] =	vst v63  }
0x1c: {  	_ =	swait.ge [sflag:s15], $0x3E80  }
0x1d: {  	[sflag:s15] =	ssyncset.done $0x0  }
0x1e: {  	s31 =	simm.s32 $0x2800;
	[sflag:s15] =	ssyncadd.s32 $0xFFFFC180  }
0x1f: {  	[spmem:s2] =	stream.indirect.scatter.add.f32 [tilespmem:s14], [sflag:$0x2], $0x80, s31, s13, $0xb8;
	[tilespmem:$0x1CC00] =	vst v63  }
0x20: {  	_ =	swait.ge [sflag:s9], $0x3E80  }
0x21: {  	s19 =	simm.s32 $0x400;
	s18 =	simm.s32 $0x200;
	[sflag:s9] =	ssyncset.done $0x0  }
.LBB2_2:
0x22: {  	s20 =	sshra.s32 s18, $0x2  }
0x23: {  	[sflag:s9] =	ssyncadd.s32 $0xFFFFC180;
	s18 =	smov.u32 s19;
	s21 =	sadd.s32 $0x200, s19  }
0x24: {  	[tilespmem:s14], [sflag:$0x1] =	stream.indirect.gather [hbm4b:s4+s13], $0x80, s20, s13, $0xb8;
	[tilespmem:$0x1CC00] =	vst v63  }
0x25: {  	p0 =	sne.s32 s19, $0x9E00;
	_ =	swait.ge [sflag:s15], $0x3E80  }
.Ltmp0:
0x26: {  	[sflag:s15] =	ssyncset.done $0x0;
	(pc) =	sbr.rel @p0 .LBB2_2-.Ltmp0, $4  }
0x27: {  	s19 =	sadd.s32 $0x2800, s20;
	[sflag:s15] =	ssyncadd.s32 $0xFFFFC180  }
0x28: {  	[spmem:s2] =	stream.indirect.scatter.add.f32 [tilespmem:s14], [sflag:$0x2], $0x80, s19, s13, $0xb8;
	[tilespmem:$0x1CC00] =	vst v63  }
0x29: {  	_ =	swait.ge [sflag:s9], $0x3E80  }
0x2a: {  	s19 =	smov.u32 s21;
	[sflag:s9] =	ssyncset.done $0x0  }
0x2b: {  	s18 =	sshra.s32 s18, $0x2;
	[sflag:s9] =	ssyncadd.s32 $0xFFFFC180  }
0x2c: {  	[tilespmem:s14], [sflag:$0x1] =	stream.indirect.gather [hbm4b:s4+s13], $0x80, s18, s13, $0xb8;
	[tilespmem:$0x1CC00] =	vst v63  }
0x2d: {  	_ =	swait.ge [sflag:s15], $0x3E80  }
0x2e: {  	[sflag:s15] =	ssyncset.done $0x0  }
0x2f: {  	s18 =	sadd.s32 $0x2800, s18;
	[sflag:s15] =	ssyncadd.s32 $0xFFFFC180  }
0x30: {  	[spmem:s2] =	stream.indirect.scatter.add.f32 [tilespmem:s14], [sflag:$0x2], $0x80, s18, s13, $0xb8;
	[tilespmem:$0x1CC00] =	vst v63  }
0x31: {  	_ =	swait.ge [sflag:s9], $0x3E80  }
0x32: {  	s17 =	sadd.s32 $0x1, s17;
	[sflag:s9] =	ssyncset.done $0x0  }
0x33: {  	p0 =	sne.s32 s17, s8;
	[sflag:s9] =	ssyncadd.s32 $0xFFFFC180  }
.Ltmp1:
0x34: {  	[bflag:$0x0] =	sbarrier.arrive $0xFFFF;
	(pc) =	sbr.rel @p0 .LBB2_1-.Ltmp1, $4  }
0x35: {  	[hbm:s16], [sflag:s11] =	dma.local [spmem:s12], $0x2780  }
0x36: {  	_ =	swait.ge [sflag:s9], $0x2780  }
0x37: {  	[sflag:s9] =	ssyncset.done $0x0  }
0x38: {  	[sflag:s9] =	ssyncadd.s32 $0xFFFFD880  }
0x39: {  	_ =	sfence.sel $0x180000  }
0x3a: {  	[bflag:$0x0] =	sbarrier.arrive $0xFFFF  }
0x3b: {  	p0 =	sne.s32 s1, $0x0;
	_ =	strace $0x90000050  }
0x3c: {  	s0 =	sadd.s32 @!p0 $0x100000, s0;
	[bflag:$0x2] =	sbarrier.arrive $0xFFFF  }
0x3d: {  	[sflag:s0] =	ssyncadd.tile.s32 @!p0 $0x1;
	_ =	shalt  }
.Lfunc_end2:
_tile_overlayer_lowered:
.L_overlay_start_2:
0x3e: {  	(tag) =	ssettag $0x2  }
0x3f: {  	s0 =	rddreg [dreg:$0x0];
	s2 =	stileid.u32  }
0x40: {  	s1 =	rddreg [dreg:$0x1];
	p0 =	sne.s32 s2, $0x0  }
0x41: {  	s3 =	rddreg [dreg:$0x2];
	[bflag:$0x3] =	sbarrier.arrive $0xFFFF;
	s2 =	simm.s32 @!p0 $0x1C02  }
0x42: {  	[timem:s3], [sflag:s2] =	dma.local @!p0 [hbm:s0], s1  }
0x43: {  	s0 =	simm.s32 @!p0 $0x2  }
0x44: {  	_ =	swait.ge @!p0 [sflag:s0], s1  }
0x45: {  	s1 =	ssub.s32 @!p0 $0x0, s1;
	[sflag:s0] =	ssyncset.done @!p0 $0x0  }
0x46: {  	[sflag:s0] =	ssyncadd.s32 @!p0 s1  }
0x47: {  	[bflag:$0x3] =	sbarrier.arrive $0xFFFF  }
0x48: {  	_ =	shalt  }

// kernel: sc_scatter.5.cloned.1.call-start
scs
__scs_entry_jumppad:
0x0: {  	(pc) =	sbr.rel $0x88, $3  }
0x1: {  	(tag) =	ssettag $0x0;
	lr =	simm.s32 $0x1  }
0x2: {  	[smem:$0x3F8E] =	sst lr;
	_ =	strace $0xD0000000  }
0x3: {  	_ = 	snop  }
0x4: {  	_ = 	snop  }
0x5: {  	_ = 	snop  }
0x6: {  	_ = 	snop  }
0x7: {  	_ = 	snop  }
__scs_overlays_trampoline_lowered:
0x8: {  	[smem:$0x3F9D] =	sst s0  }
0x9: {  	[smem:$0x3F9E] =	sst s1  }
0xa: {  	[smem:$0x3F9F] =	sst s2  }
0xb: {  	[smem:$0x3FA0] =	sst s3  }
0xc: {  	[smem:$0x3FA1] =	sst s4  }
0xd: {  	[smem:$0x3FA2] =	sst s5  }
0xe: {  	[smem:$0x3FA3] =	sst s6  }
0xf: {  	[smem:$0x3FA4] =	sst s7  }
0x10: {  	[smem:$0x3FA5] =	sst s8  }
0x11: {  	[smem:$0x3FA6] =	sst s9;
	s0 =	simm.s32 @!p0 $0x0  }
0x12: {  	s1 =	sld [smem:$0x3F8C];
	s0 =	simm.s32 @p0 $0x1  }
0x13: {  	[smem:$0x3FA7] =	sst s0;
	s0 =	simm.s32 @!p1 $0x0  }
0x14: {  	s2 =	sld [smem:$0x3F8B];
	s0 =	simm.s32 @p1 $0x1  }
0x15: {  	[smem:$0x3FA8] =	sst s0;
	s0 =	simm.s32 @!p2 $0x0  }
0x16: {  	s3 =	sld [smem:$0x3FDB];
	s0 =	simm.s32 @p2 $0x1  }
0x17: {  	s4 =	simm.s32 $0x1BF5;
	[smem:$0x3FAA] =	sst s0  }
0x18: {  	s0 =	sld [smem:$0x3F8D];
	_ =	swait.ge [sflag:s4], $0x0  }
0x19: {  	s7 =	sld [smem:$0x3F8E]  }
0x1a: {  	s8 =	sadd.s32 $0xFFFFE003, lr  }
0x1b: {  	s9 =	sadd.s32 $0xFFFFFEF7, lr;
	s5 =	simm.s32 $0xFFFFFFFF;
	p2 =	slt.u32 s8, $0xFFFFF086  }
0x1c: {  	p1 =	slt.u32 s9, $0xF7A;
	s5 =	simm.s32 @!p2 $0x0  }
0x1d: {  	s5 =	simm.s32 @p1 $0x1;
	p0 =	seq.s32 s7, s2  }
0x1e: {  	s7 =	smul.u32 @!p0 $0xF7A, s2;
	p2 =	seq.s32 @!p0 s5, $0x0  }
0x1f: {  	s9 =	smul.u32 $0xF7A, s1;
	s8 =	simm.s32 @!p0 $0x1BF5;
	p2 =	por !p2, p0  }
0x20: {  	[sflag:s8] =	ssyncset.s32 @!p0 $0xFFFFF086;
	s6 =	sadd.s32 @!p0 s3, s7;
	s7 =	simm.s32 @!p0 $0x108  }
0x21: {  	s3 =	sadd.s32 s3, s9;
	s6 =	sadd.s32 @!p0 $0x88, s6;
	s7 =	simm.s32 @p2 $0x1082  }
0x22: {  	[simem:s7], [sflag:s8] =	dma.local @!p0 [hbm:s6], $0xF7A  }
0x23: {  	s9 =	sor.u32 $0xD0000000, s2;
	s6 =	simm.s32 $0x108;
	_ =	swait.ge @!p0 [sflag:s8], $0x0  }
0x24: {  	s3 =	sadd.s32 $0x88, s3;
	s6 =	simm.s32 @!p1 $0x1082;
	[sflag:s4] =	ssyncset.s32 $0xFFFFF086  }
0x25: {  	[simem:s6], [sflag:s4] =	dma.local [hbm:s3], $0xF7A  }
0x26: {  	[smem:$0x3F8E] =	sst s1;
	(tag) =	ssettag s2;
	_ =	strace s9  }
0x27: {  	s1 =	sld [smem:$0x3F9E]  }
0x28: {  	s2 =	sld [smem:$0x3F9F]  }
0x29: {  	s4 =	sld [smem:$0x3FA1]  }
0x2a: {  	p0 =	seq.s32 s5, $0x0;
	s5 =	sld [smem:$0x3FA2]  }
0x2b: {  	s6 =	sld [smem:$0x3FA3]  }
0x2c: {  	s7 =	sld [smem:$0x3FA4]  }
0x2d: {  	s3 =	simm.s32 $0x108;
	s8 =	sld [smem:$0x3FA5]  }
0x2e: {  	s3 =	simm.s32 @!p0 $0x1082;
	s9 =	sld [smem:$0x3FA6]  }
0x2f: {  	lr =	sadd.s32 s0, s3;
	s0 =	sld [smem:$0x3F9D]  }
0x30: {  	s3 =	sld [smem:$0x3FA0]  }
0x31: {  	[smem:$0x3FA9] =	sst s10  }
0x32: {  	s10 =	sld [smem:$0x3FA7];
	_ =	sdelay $0x3  }
0x33: {  	p0 =	seq.s32 s10, $0x1;
	s10 =	sld [smem:$0x3FA9];
	_ =	sdelay $0x3  }
0x34: {  	[smem:$0x3FA9] =	sst s10  }
0x35: {  	s10 =	sld [smem:$0x3FA8];
	_ =	sdelay $0x3  }
0x36: {  	p1 =	seq.s32 s10, $0x1;
	s10 =	sld [smem:$0x3FA9];
	_ =	sdelay $0x3  }
0x37: {  	[smem:$0x3FA9] =	sst s10  }
0x38: {  	s10 =	sld [smem:$0x3FAA]  }
0x39: {  	_ = 	snop;
	(pc) =	sbr.ind lr, $3  }
0x3a: {  	_ = 	snop  }
0x3b: {  	_ = 	snop  }
0x3c: {  	p2 =	seq.s32 s10, $0x1;
	s10 =	sld [smem:$0x3FA9]  }
0x3d: {  	_ =	shalt  }
0x3e: {  	_ =	shalt  }
0x3f: {  	_ =	shalt  }
0x40: {  	_ =	shalt  }
0x41: {  	_ =	shalt  }
0x42: {  	_ =	shalt  }
0x43: {  	_ =	shalt  }
0x44: {  	_ =	shalt  }
0x45: {  	_ =	shalt  }
0x46: {  	_ =	shalt  }
0x47: {  	_ =	shalt  }
0x48: {  	_ =	shalt  }
0x49: {  	_ =	shalt  }
0x4a: {  	_ =	shalt  }
0x4b: {  	_ =	shalt  }
0x4c: {  	_ =	shalt  }
0x4d: {  	_ =	shalt  }
0x4e: {  	_ =	shalt  }
0x4f: {  	_ =	shalt  }
0x50: {  	_ =	shalt  }
0x51: {  	_ =	shalt  }
0x52: {  	_ =	shalt  }
0x53: {  	_ =	shalt  }
0x54: {  	_ =	shalt  }
0x55: {  	_ =	shalt  }
0x56: {  	_ =	shalt  }
0x57: {  	_ =	shalt  }
0x58: {  	_ =	shalt  }
0x59: {  	_ =	shalt  }
0x5a: {  	_ =	shalt  }
0x5b: {  	_ =	shalt  }
0x5c: {  	_ =	shalt  }
0x5d: {  	_ =	shalt  }
0x5e: {  	_ =	shalt  }
0x5f: {  	_ =	shalt  }
0x60: {  	_ =	shalt  }
0x61: {  	_ =	shalt  }
0x62: {  	_ =	shalt  }
0x63: {  	_ =	shalt  }
0x64: {  	_ =	shalt  }
0x65: {  	_ =	shalt  }
0x66: {  	_ =	shalt  }
0x67: {  	_ =	shalt  }
0x68: {  	_ =	shalt  }
0x69: {  	_ =	shalt  }
0x6a: {  	_ =	shalt  }
0x6b: {  	_ =	shalt  }
0x6c: {  	_ =	shalt  }
0x6d: {  	_ =	shalt  }
0x6e: {  	_ =	shalt  }
0x6f: {  	_ =	shalt  }
0x70: {  	_ =	shalt  }
0x71: {  	_ =	shalt  }
0x72: {  	_ =	shalt  }
0x73: {  	_ =	shalt  }
0x74: {  	_ =	shalt  }
0x75: {  	_ =	shalt  }
0x76: {  	_ =	shalt  }
0x77: {  	_ =	shalt  }
0x78: {  	_ =	shalt  }
0x79: {  	_ =	shalt  }
0x7a: {  	_ =	shalt  }
0x7b: {  	_ =	shalt  }
0x7c: {  	_ =	shalt  }
0x7d: {  	_ =	shalt  }
0x7e: {  	_ =	shalt  }
0x7f: {  	_ =	shalt  }
0x80: {  	_ =	shalt  }
0x81: {  	_ =	shalt  }
0x82: {  	_ =	shalt  }
0x83: {  	_ =	shalt  }
0x84: {  	_ =	shalt  }
0x85: {  	_ =	shalt  }
0x86: {  	_ =	shalt  }
0x87: {  	_ =	shalt  }
.Lfunc_end0:
.L_simem_size_0:
called_computation.1_lowered:
.L_overlay_start_0:
0x88: {  	s2 =	sld [smem:$0x3FD9]  }
0x89: {  	s3 =	sld [smem:$0x3FFE];
	_ =	sdelay $0x1  }
0x8a: {  	s1 =	srdreg.scid  }
0x8b: {  	s0 =	sand.u32 $0x1, s1  }
0x8c: {  	s16 =	sshll.u32 s0, $0xA;
	s2 =	sadd.s32 s3, s2  }
0x8d: {  	s2 =	sadd.s32 s2, s16  }
0x8e: {  	[smem:$0x3FB5] =	sst s2  }
0x8f: {  	_ = 	snop  }
0x90: {  	(tm) =	ssettm $0x1  }
0x91: {  	s17 =	sld [smem:$0x3FFB];
	_ =	sdelay $0x3  }
0x92: {  	_ =	strace s17  }
0x93: {  	s2 =	sld [smem:$0x3FFC];
	_ =	sdelay $0x3  }
0x94: {  	_ =	strace s2  }
0x95: {  	s2 =	sld [smem:$0x3FFD];
	_ =	sdelay $0x3  }
0x96: {  	_ =	strace s2  }
0x97: {  	_ =	strace $0x8FFFFFFF  }
0x98: {  	s18 =	sld [smem:$0x3FDB];
	_ =	sdelay $0x1  }
0x99: {  	s19 =	simm.s32 $_scs_section_size  }
0x9a: {  	s4 =	simm.s32 $_size__tile_overlayer_lowered;
	s5 =	simm.s32 $_tile_overlayer_lowered  }
0x9b: {  	s22 =	simm.s32 $0x1BFF;
	s21 =	sshll.u32 s5, $0x1;
	s2 =	sadd.s32 s19, s18  }
0x9c: {  	s6 =	simm.s32 $0x0;
	s20 =	sshll.u32 s4, $0x1;
	s4 =	sadd.s32 s21, s2  }
0x9d: {  	[timem:s6], [sflag:s22] =	dma.local [hbm:s4], s20  }
0x9e: {  	_ =	swait.ge [sflag:s22], s20  }
0x9f: {  	s3 =	ssub.s32 $0x0, s20;
	[sflag:s22] =	ssyncset.done $0x0  }
0xa0: {  	[sflag:s22] =	ssyncadd.s32 s3;
	_ =	sdelay $0x1  }
0xa1: {  	s23 =	simm.s32 $0x1B8B  }
0xa2: {  	_ =	swait.ge [sflag:s23], $0x1  }
0xa3: {  	[sflag:s23] =	ssyncset.done $0x0  }
0xa4: {  	s25 =	simm.s32 $0x1B8E;
	s24 =	sld [smem:$0x3FFE];
	[sflag:s23] =	ssyncadd.s32 $0xFFFFFFFF  }
0xa5: {  	s26 =	simm.s32 $execute0_lowered;
	[smem:$0x3FD2] =	sst s25  }
0xa6: {  	s4 =	sshll.u32 s26, $0x1;
	_ =	strace $0x80000049;
	[dreg:$0x1] =	wrdreg $0xFFFFFFFF  }
0xa7: {  	s28 =	simm.s32 $_size_execute0_lowered;
	s2 =	sadd.s32 s2, s4;
	[dreg:$0x0] =	wrdreg $0x0  }
0xa8: {  	s4 =	sshll.u32 s28, $0x1;
	[dreg:$0x2] =	wrdreg s2  }
0xa9: {  	[dreg:$0x3] =	wrdreg s4  }
0xaa: {  	[dreg:$0x4] =	wrdreg $0xC0  }
0xab: {  	_ =	task [dreg:s6], $0x5FFFF  }
0xac: {  	[dreg:$0x1] =	wrdreg $0xFFFFFFFF  }
0xad: {  	[dreg:$0x0] =	wrdreg $0x60  }
0xae: {  	[dreg:$0x2] =	wrdreg s24  }
0xaf: {  	[dreg:$0x3] =	wrdreg $0x90000  }
0xb0: {  	[dreg:$0x4] =	wrdreg $0x9  }
0xb1: {  	_ =	task.clear_ibuf [dreg:s6], $0x5FFFF;
	_ =	strace $0x90000049  }
0xb2: {  	s29 =	simm.s32 $0x9;
	_ =	strace $0x8000004B  }
0xb3: {  	_ =	swait.ge [sflag:s29], $0x1  }
0xb4: {  	[sflag:s29] =	ssyncadd.s32 $0xFFFFFFFF  }
0xb5: {  	_ =	strace $0x9000004B  }
0xb6: {  	_ =	sfence  }
0xb7: {  	s30 =	sld [smem:$0x0];
	_ =	sdelay $0x2  }
0xb8: {  	s31 =	sshll.u32 s1, $0xD;
	s1 =	sshrl.u32 s1, $0x2  }
0xb9: {  	s3 =	sand.u32 $0x4000, s31;
	s1 =	sadd.s32 s1, s30  }
0xba: {  	s0 =	sor.u32 s3, s0;
	s1 =	sshll.u32 s1, $0x11  }
0xbb: {  	s0 =	sor.u32 s1, s0  }
0xbc: {  	s0 =	sadd.s32 $0x8F2B, s0  }
0xbd: {  	[sflag:s0] =	ssyncadd.remote.s32 $0x1  }
0xbe: {  	_ =	sfence.sel $0xFFFF  }
0xbf: {  	[dreg:$0x0] =	wrdreg $0xFFFFFFFF;
	(pc) =	sbr.abs _section_cstart, $3  }
0xc0: {  	[dreg:$0x1] =	wrdreg $0xFFFFFFFF  }
0xc1: {  	_ =	task.clear_ibuf [dreg:s6], $0x2FFFF;
	_ =	strace $0x9FFFFFFF  }
0xc2: {  	(tm) =	ssettm $0x7FFFFFFF  }
0xc3: {  	_ =	shalt  }
tec
execute0_lowered:
.L_overlay_start_1:
0x0: {  	(tag) =	ssettag $0x1  }
0x1: {  	s0 =	srdreg.scid;
	s6 =	rddreg [dreg:$0x0]  }
0x2: {  	s2 =	rddreg [dreg:$0x1];
	s1 =	stileid.u32;
	s3 =	simm.s32 $0x0  }
0x3: {  	s13 =	simm.s32 $0x7D;
	s14 =	simm.s32 $0x5000;
	s15 =	simm.s32 $0x1  }
0x4: {  	s5 =	sand.u32 $0x1, s0;
	s0 =	rddreg [dreg:$0x2];
	s10 =	smul.u32 $0x4F000, s1  }
0x5: {  	[smem:$0x7FF] =	sst s3;
	s17 =	smul.u32 $0x2780, s1;
	s11 =	sshll.u32 s1, $0x6  }
0x6: {  	s4 =	sshll.u32 s5, $0x4;
	_ =	strace $0x8000004A;
	s8 =	smul.u32 $0x27800, s5  }
0x7: {  	s9 =	ssub.s32 $0x2, s5;
	s5 =	sadd.s32 $0xDE00, s6;
	s11 =	sor.u32 $0x1C02, s11  }
0x8: {  	s4 =	sor.u32 s1, s4;
	s31 =	sshrl.u32 s9, $0x1;
	s10 =	sshrl.u32 s10, $0x2  }
0x9: {  	s7 =	smul.u32 $0x500, s4;
	s4 =	sadd.s32 $0x10600, s6;
	s8 =	sadd.s32 s8, s6  }
0xa: {  	s9 =	ssub.s32 s9, s31;
	s12 =	sadd.s32 s10, s2;
	s10 =	simm.s32 $0x2800  }
0xb: {  	s16 =	sadd.s32 $0x69E00, s8;
	s8 =	smax.u32 s9, $0x1;
	s9 =	simm.s32 $0x2  }
0xc: {  	s12 =	sshrl.u32 s12, $0x3;
	s7 =	sadd.s32 s7, s6;
	s16 =	sadd.s32 s17, s16  }
0xd: {  	s17 =	simm.s32 $0x0;
	s6 =	sadd.s32 $0x5FE00, s7;
	s7 =	sadd.s32 $0x3E00, s7  }
.LBB2_1:
0xe: {  	[tilespmem:s3], [sflag:$0x2] =	stream.linear.gather [hbm4b:s6+s3], $0x2800, $0x38;
	[tilespmem:$0x1CC00] =	vst v63  }
0xf: {  	_ =	swait.ge [sflag:s9], $0x2800  }
0x10: {  	[sflag:s9] =	ssyncset.done $0x0  }
0x11: {  	[sflag:s9] =	ssyncadd.s32 $0xFFFFD800  }
0x12: {  	[tilespmem:s10], [sflag:$0x2] =	stream.linear.gather [hbm4b:s7+s3], $0x2800, $0x38;
	[tilespmem:$0x1CC00] =	vst v63  }
0x13: {  	_ =	swait.ge [sflag:s9], $0x2800  }
0x14: {  	[sflag:s9] =	ssyncset.done $0x0  }
0x15: {  	[sflag:s9] =	ssyncadd.s32 $0xFFFFD800  }
0x16: {  	[spmem:s12], [sflag:s11] =	dma.local [hbm:s5], $0x2780  }
0x17: {  	_ =	swait.ge [sflag:s9], $0x2780  }
0x18: {  	[sflag:s9] =	ssyncset.done $0x0  }
0x19: {  	[sflag:s9] =	ssyncadd.s32 $0xFFFFD880  }
0x1a: {  	s18 =	simm.s32 $0x0;
	[bflag:$0x0] =	sbarrier.arrive $0xFFFF  }
0x1b: {  	[tilespmem:s14], [sflag:$0x1] =	stream.indirect.gather [hbm4b:s4+s13], $0x80, s18, s13, $0xb8;
	[tilespmem:$0x1CC00] =	vst v63  }
0x1c: {  	_ =	swait.ge [sflag:s15], $0x3E80  }
0x1d: {  	[sflag:s15] =	ssyncset.done $0x0  }
0x1e: {  	s31 =	simm.s32 $0x2800;
	[sflag:s15] =	ssyncadd.s32 $0xFFFFC180  }
0x1f: {  	[spmem:s2] =	stream.indirect.scatter.add.f32 [tilespmem:s14], [sflag:$0x2], $0x80, s31, s13, $0xb8;
	[tilespmem:$0x1CC00] =	vst v63  }
0x20: {  	_ =	swait.ge [sflag:s9], $0x3E80  }
0x21: {  	s19 =	simm.s32 $0x400;
	s18 =	simm.s32 $0x200;
	[sflag:s9] =	ssyncset.done $0x0  }
.LBB2_2:
0x22: {  	s20 =	sshra.s32 s18, $0x2  }
0x23: {  	[sflag:s9] =	ssyncadd.s32 $0xFFFFC180;
	s18 =	smov.u32 s19;
	s21 =	sadd.s32 $0x200, s19  }
0x24: {  	[tilespmem:s14], [sflag:$0x1] =	stream.indirect.gather [hbm4b:s4+s13], $0x80, s20, s13, $0xb8;
	[tilespmem:$0x1CC00] =	vst v63  }
0x25: {  	p0 =	sne.s32 s19, $0x9E00;
	_ =	swait.ge [sflag:s15], $0x3E80  }
.Ltmp0:
0x26: {  	[sflag:s15] =	ssyncset.done $0x0;
	(pc) =	sbr.rel @p0 .LBB2_2-.Ltmp0, $4  }
0x27: {  	s19 =	sadd.s32 $0x2800, s20;
	[sflag:s15] =	ssyncadd.s32 $0xFFFFC180  }
0x28: {  	[spmem:s2] =	stream.indirect.scatter.add.f32 [tilespmem:s14], [sflag:$0x2], $0x80, s19, s13, $0xb8;
	[tilespmem:$0x1CC00] =	vst v63  }
0x29: {  	_ =	swait.ge [sflag:s9], $0x3E80  }
0x2a: {  	s19 =	smov.u32 s21;
	[sflag:s9] =	ssyncset.done $0x0  }
0x2b: {  	s18 =	sshra.s32 s18, $0x2;
	[sflag:s9] =	ssyncadd.s32 $0xFFFFC180  }
0x2c: {  	[tilespmem:s14], [sflag:$0x1] =	stream.indirect.gather [hbm4b:s4+s13], $0x80, s18, s13, $0xb8;
	[tilespmem:$0x1CC00] =	vst v63  }
0x2d: {  	_ =	swait.ge [sflag:s15], $0x3E80  }
0x2e: {  	[sflag:s15] =	ssyncset.done $0x0  }
0x2f: {  	s18 =	sadd.s32 $0x2800, s18;
	[sflag:s15] =	ssyncadd.s32 $0xFFFFC180  }
0x30: {  	[spmem:s2] =	stream.indirect.scatter.add.f32 [tilespmem:s14], [sflag:$0x2], $0x80, s18, s13, $0xb8;
	[tilespmem:$0x1CC00] =	vst v63  }
0x31: {  	_ =	swait.ge [sflag:s9], $0x3E80  }
0x32: {  	s17 =	sadd.s32 $0x1, s17;
	[sflag:s9] =	ssyncset.done $0x0  }
0x33: {  	p0 =	sne.s32 s17, s8;
	[sflag:s9] =	ssyncadd.s32 $0xFFFFC180  }
.Ltmp1:
0x34: {  	[bflag:$0x0] =	sbarrier.arrive $0xFFFF;
	(pc) =	sbr.rel @p0 .LBB2_1-.Ltmp1, $4  }
0x35: {  	[hbm:s16], [sflag:s11] =	dma.local [spmem:s12], $0x2780  }
0x36: {  	_ =	swait.ge [sflag:s9], $0x2780  }
0x37: {  	[sflag:s9] =	ssyncset.done $0x0  }
0x38: {  	[sflag:s9] =	ssyncadd.s32 $0xFFFFD880  }
0x39: {  	_ =	sfence.sel $0x180000  }
0x3a: {  	[bflag:$0x0] =	sbarrier.arrive $0xFFFF  }
0x3b: {  	p0 =	sne.s32 s1, $0x0;
	_ =	strace $0x9000004A  }
0x3c: {  	s0 =	sadd.s32 @!p0 $0x100000, s0;
	[bflag:$0x2] =	sbarrier.arrive $0xFFFF  }
0x3d: {  	[sflag:s0] =	ssyncadd.tile.s32 @!p0 $0x1;
	_ =	shalt  }
.Lfunc_end2:
_tile_overlayer_lowered:
.L_overlay_start_2:
0x3e: {  	(tag) =	ssettag $0x2  }
0x3f: {  	s0 =	rddreg [dreg:$0x0];
	s2 =	stileid.u32  }
0x40: {  	s1 =	rddreg [dreg:$0x1];
	p0 =	sne.s32 s2, $0x0  }
0x41: {  	s3 =	rddreg [dreg:$0x2];
	[bflag:$0x3] =	sbarrier.arrive $0xFFFF;
	s2 =	simm.s32 @!p0 $0x1C02  }
0x42: {  	[timem:s3], [sflag:s2] =	dma.local @!p0 [hbm:s0], s1  }
0x43: {  	s0 =	simm.s32 @!p0 $0x2  }
0x44: {  	_ =	swait.ge @!p0 [sflag:s0], s1  }
0x45: {  	s1 =	ssub.s32 @!p0 $0x0, s1;
	[sflag:s0] =	ssyncset.done @!p0 $0x0  }
0x46: {  	[sflag:s0] =	ssyncadd.s32 @!p0 s1  }
0x47: {  	[bflag:$0x3] =	sbarrier.arrive $0xFFFF  }
0x48: {  	_ =	shalt  }

// kernel: sc_scatter.8.cloned.1.call-start
scs
__scs_entry_jumppad:
0x0: {  	(pc) =	sbr.rel $0x88, $3  }
0x1: {  	(tag) =	ssettag $0x0;
	lr =	simm.s32 $0x1  }
0x2: {  	[smem:$0x3F8E] =	sst lr;
	_ =	strace $0xD0000000  }
0x3: {  	_ = 	snop  }
0x4: {  	_ = 	snop  }
0x5: {  	_ = 	snop  }
0x6: {  	_ = 	snop  }
0x7: {  	_ = 	snop  }
__scs_overlays_trampoline_lowered:
0x8: {  	[smem:$0x3F9D] =	sst s0  }
0x9: {  	[smem:$0x3F9E] =	sst s1  }
0xa: {  	[smem:$0x3F9F] =	sst s2  }
0xb: {  	[smem:$0x3FA0] =	sst s3  }
0xc: {  	[smem:$0x3FA1] =	sst s4  }
0xd: {  	[smem:$0x3FA2] =	sst s5  }
0xe: {  	[smem:$0x3FA3] =	sst s6  }
0xf: {  	[smem:$0x3FA4] =	sst s7  }
0x10: {  	[smem:$0x3FA5] =	sst s8  }
0x11: {  	[smem:$0x3FA6] =	sst s9;
	s0 =	simm.s32 @!p0 $0x0  }
0x12: {  	s1 =	sld [smem:$0x3F8C];
	s0 =	simm.s32 @p0 $0x1  }
0x13: {  	[smem:$0x3FA7] =	sst s0;
	s0 =	simm.s32 @!p1 $0x0  }
0x14: {  	s2 =	sld [smem:$0x3F8B];
	s0 =	simm.s32 @p1 $0x1  }
0x15: {  	[smem:$0x3FA8] =	sst s0;
	s0 =	simm.s32 @!p2 $0x0  }
0x16: {  	s3 =	sld [smem:$0x3FDB];
	s0 =	simm.s32 @p2 $0x1  }
0x17: {  	s4 =	simm.s32 $0x1BF5;
	[smem:$0x3FAA] =	sst s0  }
0x18: {  	s0 =	sld [smem:$0x3F8D];
	_ =	swait.ge [sflag:s4], $0x0  }
0x19: {  	s7 =	sld [smem:$0x3F8E]  }
0x1a: {  	s8 =	sadd.s32 $0xFFFFE003, lr  }
0x1b: {  	s9 =	sadd.s32 $0xFFFFFEF7, lr;
	s5 =	simm.s32 $0xFFFFFFFF;
	p2 =	slt.u32 s8, $0xFFFFF086  }
0x1c: {  	p1 =	slt.u32 s9, $0xF7A;
	s5 =	simm.s32 @!p2 $0x0  }
0x1d: {  	s5 =	simm.s32 @p1 $0x1;
	p0 =	seq.s32 s7, s2  }
0x1e: {  	s7 =	smul.u32 @!p0 $0xF7A, s2;
	p2 =	seq.s32 @!p0 s5, $0x0  }
0x1f: {  	s9 =	smul.u32 $0xF7A, s1;
	s8 =	simm.s32 @!p0 $0x1BF5;
	p2 =	por !p2, p0  }
0x20: {  	[sflag:s8] =	ssyncset.s32 @!p0 $0xFFFFF086;
	s6 =	sadd.s32 @!p0 s3, s7;
	s7 =	simm.s32 @!p0 $0x108  }
0x21: {  	s3 =	sadd.s32 s3, s9;
	s6 =	sadd.s32 @!p0 $0x88, s6;
	s7 =	simm.s32 @p2 $0x1082  }
0x22: {  	[simem:s7], [sflag:s8] =	dma.local @!p0 [hbm:s6], $0xF7A  }
0x23: {  	s9 =	sor.u32 $0xD0000000, s2;
	s6 =	simm.s32 $0x108;
	_ =	swait.ge @!p0 [sflag:s8], $0x0  }
0x24: {  	s3 =	sadd.s32 $0x88, s3;
	s6 =	simm.s32 @!p1 $0x1082;
	[sflag:s4] =	ssyncset.s32 $0xFFFFF086  }
0x25: {  	[simem:s6], [sflag:s4] =	dma.local [hbm:s3], $0xF7A  }
0x26: {  	[smem:$0x3F8E] =	sst s1;
	(tag) =	ssettag s2;
	_ =	strace s9  }
0x27: {  	s1 =	sld [smem:$0x3F9E]  }
0x28: {  	s2 =	sld [smem:$0x3F9F]  }
0x29: {  	s4 =	sld [smem:$0x3FA1]  }
0x2a: {  	p0 =	seq.s32 s5, $0x0;
	s5 =	sld [smem:$0x3FA2]  }
0x2b: {  	s6 =	sld [smem:$0x3FA3]  }
0x2c: {  	s7 =	sld [smem:$0x3FA4]  }
0x2d: {  	s3 =	simm.s32 $0x108;
	s8 =	sld [smem:$0x3FA5]  }
0x2e: {  	s3 =	simm.s32 @!p0 $0x1082;
	s9 =	sld [smem:$0x3FA6]  }
0x2f: {  	lr =	sadd.s32 s0, s3;
	s0 =	sld [smem:$0x3F9D]  }
0x30: {  	s3 =	sld [smem:$0x3FA0]  }
0x31: {  	[smem:$0x3FA9] =	sst s10  }
0x32: {  	s10 =	sld [smem:$0x3FA7];
	_ =	sdelay $0x3  }
0x33: {  	p0 =	seq.s32 s10, $0x1;
	s10 =	sld [smem:$0x3FA9];
	_ =	sdelay $0x3  }
0x34: {  	[smem:$0x3FA9] =	sst s10  }
0x35: {  	s10 =	sld [smem:$0x3FA8];
	_ =	sdelay $0x3  }
0x36: {  	p1 =	seq.s32 s10, $0x1;
	s10 =	sld [smem:$0x3FA9];
	_ =	sdelay $0x3  }
0x37: {  	[smem:$0x3FA9] =	sst s10  }
0x38: {  	s10 =	sld [smem:$0x3FAA]  }
0x39: {  	_ = 	snop;
	(pc) =	sbr.ind lr, $3  }
0x3a: {  	_ = 	snop  }
0x3b: {  	_ = 	snop  }
0x3c: {  	p2 =	seq.s32 s10, $0x1;
	s10 =	sld [smem:$0x3FA9]  }
0x3d: {  	_ =	shalt  }
0x3e: {  	_ =	shalt  }
0x3f: {  	_ =	shalt  }
0x40: {  	_ =	shalt  }
0x41: {  	_ =	shalt  }
0x42: {  	_ =	shalt  }
0x43: {  	_ =	shalt  }
0x44: {  	_ =	shalt  }
0x45: {  	_ =	shalt  }
0x46: {  	_ =	shalt  }
0x47: {  	_ =	shalt  }
0x48: {  	_ =	shalt  }
0x49: {  	_ =	shalt  }
0x4a: {  	_ =	shalt  }
0x4b: {  	_ =	shalt  }
0x4c: {  	_ =	shalt  }
0x4d: {  	_ =	shalt  }
0x4e: {  	_ =	shalt  }
0x4f: {  	_ =	shalt  }
0x50: {  	_ =	shalt  }
0x51: {  	_ =	shalt  }
0x52: {  	_ =	shalt  }
0x53: {  	_ =	shalt  }
0x54: {  	_ =	shalt  }
0x55: {  	_ =	shalt  }
0x56: {  	_ =	shalt  }
0x57: {  	_ =	shalt  }
0x58: {  	_ =	shalt  }
0x59: {  	_ =	shalt  }
0x5a: {  	_ =	shalt  }
0x5b: {  	_ =	shalt  }
0x5c: {  	_ =	shalt  }
0x5d: {  	_ =	shalt  }
0x5e: {  	_ =	shalt  }
0x5f: {  	_ =	shalt  }
0x60: {  	_ =	shalt  }
0x61: {  	_ =	shalt  }
0x62: {  	_ =	shalt  }
0x63: {  	_ =	shalt  }
0x64: {  	_ =	shalt  }
0x65: {  	_ =	shalt  }
0x66: {  	_ =	shalt  }
0x67: {  	_ =	shalt  }
0x68: {  	_ =	shalt  }
0x69: {  	_ =	shalt  }
0x6a: {  	_ =	shalt  }
0x6b: {  	_ =	shalt  }
0x6c: {  	_ =	shalt  }
0x6d: {  	_ =	shalt  }
0x6e: {  	_ =	shalt  }
0x6f: {  	_ =	shalt  }
0x70: {  	_ =	shalt  }
0x71: {  	_ =	shalt  }
0x72: {  	_ =	shalt  }
0x73: {  	_ =	shalt  }
0x74: {  	_ =	shalt  }
0x75: {  	_ =	shalt  }
0x76: {  	_ =	shalt  }
0x77: {  	_ =	shalt  }
0x78: {  	_ =	shalt  }
0x79: {  	_ =	shalt  }
0x7a: {  	_ =	shalt  }
0x7b: {  	_ =	shalt  }
0x7c: {  	_ =	shalt  }
0x7d: {  	_ =	shalt  }
0x7e: {  	_ =	shalt  }
0x7f: {  	_ =	shalt  }
0x80: {  	_ =	shalt  }
0x81: {  	_ =	shalt  }
0x82: {  	_ =	shalt  }
0x83: {  	_ =	shalt  }
0x84: {  	_ =	shalt  }
0x85: {  	_ =	shalt  }
0x86: {  	_ =	shalt  }
0x87: {  	_ =	shalt  }
.Lfunc_end0:
.L_simem_size_0:
called_computation.2_lowered:
.L_overlay_start_0:
0x88: {  	s2 =	sld [smem:$0x3FD9]  }
0x89: {  	s3 =	sld [smem:$0x3FFE];
	_ =	sdelay $0x1  }
0x8a: {  	s1 =	srdreg.scid  }
0x8b: {  	s0 =	sand.u32 $0x1, s1  }
0x8c: {  	s16 =	sshll.u32 s0, $0xA;
	s2 =	sadd.s32 s3, s2  }
0x8d: {  	s2 =	sadd.s32 s2, s16  }
0x8e: {  	[smem:$0x3FB5] =	sst s2  }
0x8f: {  	_ = 	snop  }
0x90: {  	(tm) =	ssettm $0x1  }
0x91: {  	s17 =	sld [smem:$0x3FFB];
	_ =	sdelay $0x3  }
0x92: {  	_ =	strace s17  }
0x93: {  	s2 =	sld [smem:$0x3FFC];
	_ =	sdelay $0x3  }
0x94: {  	_ =	strace s2  }
0x95: {  	s2 =	sld [smem:$0x3FFD];
	_ =	sdelay $0x3  }
0x96: {  	_ =	strace s2  }
0x97: {  	_ =	strace $0x8FFFFFFF  }
0x98: {  	s18 =	sld [smem:$0x3FDB];
	_ =	sdelay $0x1  }
0x99: {  	s19 =	simm.s32 $_scs_section_size  }
0x9a: {  	s4 =	simm.s32 $_size__tile_overlayer_lowered;
	s5 =	simm.s32 $_tile_overlayer_lowered  }
0x9b: {  	s22 =	simm.s32 $0x1BFF;
	s21 =	sshll.u32 s5, $0x1;
	s2 =	sadd.s32 s19, s18  }
0x9c: {  	s6 =	simm.s32 $0x0;
	s20 =	sshll.u32 s4, $0x1;
	s4 =	sadd.s32 s21, s2  }
0x9d: {  	[timem:s6], [sflag:s22] =	dma.local [hbm:s4], s20  }
0x9e: {  	_ =	swait.ge [sflag:s22], s20  }
0x9f: {  	s3 =	ssub.s32 $0x0, s20;
	[sflag:s22] =	ssyncset.done $0x0  }
0xa0: {  	[sflag:s22] =	ssyncadd.s32 s3;
	_ =	sdelay $0x1  }
0xa1: {  	s23 =	simm.s32 $0x1B8B  }
0xa2: {  	_ =	swait.ge [sflag:s23], $0x1  }
0xa3: {  	[sflag:s23] =	ssyncset.done $0x0  }
0xa4: {  	s25 =	simm.s32 $0x1B8E;
	s24 =	sld [smem:$0x3FFE];
	[sflag:s23] =	ssyncadd.s32 $0xFFFFFFFF  }
0xa5: {  	s26 =	simm.s32 $execute0_lowered;
	[smem:$0x3FD2] =	sst s25  }
0xa6: {  	s4 =	sshll.u32 s26, $0x1;
	_ =	strace $0x8000004C;
	[dreg:$0x1] =	wrdreg $0xFFFFFFFF  }
0xa7: {  	s28 =	simm.s32 $_size_execute0_lowered;
	s2 =	sadd.s32 s2, s4;
	[dreg:$0x0] =	wrdreg $0x0  }
0xa8: {  	s4 =	sshll.u32 s28, $0x1;
	[dreg:$0x2] =	wrdreg s2  }
0xa9: {  	[dreg:$0x3] =	wrdreg s4  }
0xaa: {  	[dreg:$0x4] =	wrdreg $0xC0  }
0xab: {  	_ =	task [dreg:s6], $0x5FFFF  }
0xac: {  	[dreg:$0x1] =	wrdreg $0xFFFFFFFF  }
0xad: {  	[dreg:$0x0] =	wrdreg $0x60  }
0xae: {  	[dreg:$0x2] =	wrdreg s24  }
0xaf: {  	[dreg:$0x3] =	wrdreg $0x90000  }
0xb0: {  	[dreg:$0x4] =	wrdreg $0x9  }
0xb1: {  	_ =	task.clear_ibuf [dreg:s6], $0x5FFFF;
	_ =	strace $0x9000004C  }
0xb2: {  	s29 =	simm.s32 $0x9;
	_ =	strace $0x8000004E  }
0xb3: {  	_ =	swait.ge [sflag:s29], $0x1  }
0xb4: {  	[sflag:s29] =	ssyncadd.s32 $0xFFFFFFFF  }
0xb5: {  	_ =	strace $0x9000004E  }
0xb6: {  	_ =	sfence  }
0xb7: {  	s30 =	sld [smem:$0x0];
	_ =	sdelay $0x2  }
0xb8: {  	s31 =	sshll.u32 s1, $0xD;
	s1 =	sshrl.u32 s1, $0x2  }
0xb9: {  	s3 =	sand.u32 $0x4000, s31;
	s1 =	sadd.s32 s1, s30  }
0xba: {  	s0 =	sor.u32 s3, s0;
	s1 =	sshll.u32 s1, $0x11  }
0xbb: {  	s0 =	sor.u32 s1, s0  }
0xbc: {  	s0 =	sadd.s32 $0x8F2B, s0  }
0xbd: {  	[sflag:s0] =	ssyncadd.remote.s32 $0x1  }
0xbe: {  	_ =	sfence.sel $0xFFFF  }
0xbf: {  	[dreg:$0x0] =	wrdreg $0xFFFFFFFF;
	(pc) =	sbr.abs _section_cstart, $3  }
0xc0: {  	[dreg:$0x1] =	wrdreg $0xFFFFFFFF  }
0xc1: {  	_ =	task.clear_ibuf [dreg:s6], $0x2FFFF;
	_ =	strace $0x9FFFFFFF  }
0xc2: {  	(tm) =	ssettm $0x7FFFFFFF  }
0xc3: {  	_ =	shalt  }
tec
execute0_lowered:
.L_overlay_start_1:
0x0: {  	(tag) =	ssettag $0x1  }
0x1: {  	s0 =	srdreg.scid;
	s6 =	rddreg [dreg:$0x0]  }
0x2: {  	s2 =	rddreg [dreg:$0x1];
	s1 =	stileid.u32;
	s3 =	simm.s32 $0x0  }
0x3: {  	s13 =	simm.s32 $0x7D;
	s14 =	simm.s32 $0x5000;
	s15 =	simm.s32 $0x1  }
0x4: {  	s5 =	sand.u32 $0x1, s0;
	s0 =	rddreg [dreg:$0x2];
	s10 =	smul.u32 $0x4F000, s1  }
0x5: {  	[smem:$0x7FF] =	sst s3;
	s17 =	smul.u32 $0x2780, s1;
	s11 =	sshll.u32 s1, $0x6  }
0x6: {  	s4 =	sshll.u32 s5, $0x4;
	_ =	strace $0x8000004D;
	s8 =	smul.u32 $0x27800, s5  }
0x7: {  	s9 =	ssub.s32 $0x2, s5;
	s5 =	sadd.s32 $0xDE00, s6;
	s11 =	sor.u32 $0x1C02, s11  }
0x8: {  	s4 =	sor.u32 s1, s4;
	s31 =	sshrl.u32 s9, $0x1;
	s10 =	sshrl.u32 s10, $0x2  }
0x9: {  	s7 =	smul.u32 $0x500, s4;
	s4 =	sadd.s32 $0x10600, s6;
	s8 =	sadd.s32 s8, s6  }
0xa: {  	s9 =	ssub.s32 s9, s31;
	s12 =	sadd.s32 s10, s2;
	s10 =	simm.s32 $0x2800  }
0xb: {  	s16 =	sadd.s32 $0x69E00, s8;
	s8 =	smax.u32 s9, $0x1;
	s9 =	simm.s32 $0x2  }
0xc: {  	s12 =	sshrl.u32 s12, $0x3;
	s7 =	sadd.s32 s7, s6;
	s16 =	sadd.s32 s17, s16  }
0xd: {  	s17 =	simm.s32 $0x0;
	s6 =	sadd.s32 $0x5FE00, s7;
	s7 =	sadd.s32 $0x3E00, s7  }
.LBB2_1:
0xe: {  	[tilespmem:s3], [sflag:$0x2] =	stream.linear.gather [hbm4b:s6+s3], $0x2800, $0x38;
	[tilespmem:$0x1CC00] =	vst v63  }
0xf: {  	_ =	swait.ge [sflag:s9], $0x2800  }
0x10: {  	[sflag:s9] =	ssyncset.done $0x0  }
0x11: {  	[sflag:s9] =	ssyncadd.s32 $0xFFFFD800  }
0x12: {  	[tilespmem:s10], [sflag:$0x2] =	stream.linear.gather [hbm4b:s7+s3], $0x2800, $0x38;
	[tilespmem:$0x1CC00] =	vst v63  }
0x13: {  	_ =	swait.ge [sflag:s9], $0x2800  }
0x14: {  	[sflag:s9] =	ssyncset.done $0x0  }
0x15: {  	[sflag:s9] =	ssyncadd.s32 $0xFFFFD800  }
0x16: {  	[spmem:s12], [sflag:s11] =	dma.local [hbm:s5], $0x2780  }
0x17: {  	_ =	swait.ge [sflag:s9], $0x2780  }
0x18: {  	[sflag:s9] =	ssyncset.done $0x0  }
0x19: {  	[sflag:s9] =	ssyncadd.s32 $0xFFFFD880  }
0x1a: {  	s18 =	simm.s32 $0x0;
	[bflag:$0x0] =	sbarrier.arrive $0xFFFF  }
0x1b: {  	[tilespmem:s14], [sflag:$0x1] =	stream.indirect.gather [hbm4b:s4+s13], $0x80, s18, s13, $0xb8;
	[tilespmem:$0x1CC00] =	vst v63  }
0x1c: {  	_ =	swait.ge [sflag:s15], $0x3E80  }
0x1d: {  	[sflag:s15] =	ssyncset.done $0x0  }
0x1e: {  	s31 =	simm.s32 $0x2800;
	[sflag:s15] =	ssyncadd.s32 $0xFFFFC180  }
0x1f: {  	[spmem:s2] =	stream.indirect.scatter.add.f32 [tilespmem:s14], [sflag:$0x2], $0x80, s31, s13, $0xb8;
	[tilespmem:$0x1CC00] =	vst v63  }
0x20: {  	_ =	swait.ge [sflag:s9], $0x3E80  }
0x21: {  	s19 =	simm.s32 $0x400;
	s18 =	simm.s32 $0x200;
	[sflag:s9] =	ssyncset.done $0x0  }
.LBB2_2:
0x22: {  	s20 =	sshra.s32 s18, $0x2  }
0x23: {  	[sflag:s9] =	ssyncadd.s32 $0xFFFFC180;
	s18 =	smov.u32 s19;
	s21 =	sadd.s32 $0x200, s19  }
0x24: {  	[tilespmem:s14], [sflag:$0x1] =	stream.indirect.gather [hbm4b:s4+s13], $0x80, s20, s13, $0xb8;
	[tilespmem:$0x1CC00] =	vst v63  }
0x25: {  	p0 =	sne.s32 s19, $0x9E00;
	_ =	swait.ge [sflag:s15], $0x3E80  }
.Ltmp0:
0x26: {  	[sflag:s15] =	ssyncset.done $0x0;
	(pc) =	sbr.rel @p0 .LBB2_2-.Ltmp0, $4  }
0x27: {  	s19 =	sadd.s32 $0x2800, s20;
	[sflag:s15] =	ssyncadd.s32 $0xFFFFC180  }
0x28: {  	[spmem:s2] =	stream.indirect.scatter.add.f32 [tilespmem:s14], [sflag:$0x2], $0x80, s19, s13, $0xb8;
	[tilespmem:$0x1CC00] =	vst v63  }
0x29: {  	_ =	swait.ge [sflag:s9], $0x3E80  }
0x2a: {  	s19 =	smov.u32 s21;
	[sflag:s9] =	ssyncset.done $0x0  }
0x2b: {  	s18 =	sshra.s32 s18, $0x2;
	[sflag:s9] =	ssyncadd.s32 $0xFFFFC180  }
0x2c: {  	[tilespmem:s14], [sflag:$0x1] =	stream.indirect.gather [hbm4b:s4+s13], $0x80, s18, s13, $0xb8;
	[tilespmem:$0x1CC00] =	vst v63  }
0x2d: {  	_ =	swait.ge [sflag:s15], $0x3E80  }
0x2e: {  	[sflag:s15] =	ssyncset.done $0x0  }
0x2f: {  	s18 =	sadd.s32 $0x2800, s18;
	[sflag:s15] =	ssyncadd.s32 $0xFFFFC180  }
0x30: {  	[spmem:s2] =	stream.indirect.scatter.add.f32 [tilespmem:s14], [sflag:$0x2], $0x80, s18, s13, $0xb8;
	[tilespmem:$0x1CC00] =	vst v63  }
0x31: {  	_ =	swait.ge [sflag:s9], $0x3E80  }
0x32: {  	s17 =	sadd.s32 $0x1, s17;
	[sflag:s9] =	ssyncset.done $0x0  }
0x33: {  	p0 =	sne.s32 s17, s8;
	[sflag:s9] =	ssyncadd.s32 $0xFFFFC180  }
.Ltmp1:
0x34: {  	[bflag:$0x0] =	sbarrier.arrive $0xFFFF;
	(pc) =	sbr.rel @p0 .LBB2_1-.Ltmp1, $4  }
0x35: {  	[hbm:s16], [sflag:s11] =	dma.local [spmem:s12], $0x2780  }
0x36: {  	_ =	swait.ge [sflag:s9], $0x2780  }
0x37: {  	[sflag:s9] =	ssyncset.done $0x0  }
0x38: {  	[sflag:s9] =	ssyncadd.s32 $0xFFFFD880  }
0x39: {  	_ =	sfence.sel $0x180000  }
0x3a: {  	[bflag:$0x0] =	sbarrier.arrive $0xFFFF  }
0x3b: {  	p0 =	sne.s32 s1, $0x0;
	_ =	strace $0x9000004D  }
0x3c: {  	s0 =	sadd.s32 @!p0 $0x100000, s0;
	[bflag:$0x2] =	sbarrier.arrive $0xFFFF  }
0x3d: {  	[sflag:s0] =	ssyncadd.tile.s32 @!p0 $0x1;
	_ =	shalt  }
.Lfunc_end2:
_tile_overlayer_lowered:
.L_overlay_start_2:
0x3e: {  	(tag) =	ssettag $0x2  }
0x3f: {  	s0 =	rddreg [dreg:$0x0];
	s2 =	stileid.u32  }
0x40: {  	s1 =	rddreg [dreg:$0x1];
	p0 =	sne.s32 s2, $0x0  }
0x41: {  	s3 =	rddreg [dreg:$0x2];
	[bflag:$0x3] =	sbarrier.arrive $0xFFFF;
	s2 =	simm.s32 @!p0 $0x1C02  }
0x42: {  	[timem:s3], [sflag:s2] =	dma.local @!p0 [hbm:s0], s1  }
0x43: {  	s0 =	simm.s32 @!p0 $0x2  }
0x44: {  	_ =	swait.ge @!p0 [sflag:s0], s1  }
0x45: {  	s1 =	ssub.s32 @!p0 $0x0, s1;
	[sflag:s0] =	ssyncset.done @!p0 $0x0  }
0x46: {  	[sflag:s0] =	ssyncadd.s32 @!p0 s1  }
0x47: {  	[bflag:$0x3] =	sbarrier.arrive $0xFFFF  }
0x48: {  	_ =	shalt  }

</sc_bundles>
